<compile_context>
chip_gen: v7x
topology: tpu7x:2x2x1
jax: 0.10.2.dev20260603
libtpu: 0.0.44.dev20260713+nightly
codegen_flags: <defaults>
</compile_context>

<pallas_src>
import jax
import jax.numpy as jnp
from jax import lax
from jax.experimental import pallas as pl
from jax.experimental.pallas import tpu as pltpu
from jax.experimental.pallas import tpu_sc as plsc

B = 4
S = 4096
D = 1024

NC = 2
NS = 16
NW = NC * NS

R = 8
ROWS_PER_W = S // NW
NCHUNKS = ROWS_PER_W // R
NSTEPS = NCHUNKS * B


NBUF = 10
PD = 6


def _sc_body(x_hbm, pe_hbm, o_hbm, pe_v, x_v, pe_sem, in_sem, out_sem):
    c = lax.axis_index("c")
    s = lax.axis_index("s")
    wid = s * NC + c
    base = wid * ROWS_PER_W

    pltpu.async_copy(pe_hbm.at[pl.ds(base, R)], pe_v.at[0], pe_sem.at[0])
    for t0 in range(PD):
        i0 = t0 // B
        b0 = t0 % B
        pltpu.async_copy(
            x_hbm.at[b0, pl.ds(base + i0 * R, R)], x_v.at[t0], in_sem.at[t0]
        )

    def step(t, _):
        i = t // B
        b = t % B
        slot = lax.rem(t, NBUF)
        row0 = base + i * R

        @pl.when(jnp.logical_and(b == 0, i + 1 < NCHUNKS))
        def _():
            pltpu.async_copy(
                pe_hbm.at[pl.ds(row0 + R, R)],
                pe_v.at[lax.rem(i + 1, 2)],
                pe_sem.at[lax.rem(i + 1, 2)],
            )

        @pl.when(t + PD < NSTEPS)
        def _():
            t2 = t + PD
            i2 = t2 // B
            b2 = t2 % B
            s2 = lax.rem(t2, NBUF)

            @pl.when(t >= NBUF - PD)
            def _():
                pltpu.make_async_copy(
                    x_v.at[s2], o_hbm.at[0, pl.ds(base, R)], out_sem.at[s2]
                ).wait()

            pltpu.async_copy(
                x_hbm.at[b2, pl.ds(base + i2 * R, R)], x_v.at[s2], in_sem.at[s2]
            )

        @pl.when(b == 0)
        def _():
            pltpu.make_async_copy(
                pe_hbm.at[pl.ds(row0, R)],
                pe_v.at[lax.rem(i, 2)],
                pe_sem.at[lax.rem(i, 2)],
            ).wait()

        pltpu.make_async_copy(
            x_hbm.at[b, pl.ds(row0, R)], x_v.at[slot], in_sem.at[slot]
        ).wait()

        pslot = lax.rem(i, 2)

        @plsc.parallel_loop(0, R * D, 16, unroll=16)
        def _add(j):
            r = j // D
            col = lax.rem(j, D)
            x_v[slot, r, pl.ds(col, 16)] = (
                x_v[slot, r, pl.ds(col, 16)] + pe_v[pslot, r, pl.ds(col, 16)]
            )

        pltpu.async_copy(x_v.at[slot], o_hbm.at[b, pl.ds(row0, R)], out_sem.at[slot])
        return 0

    lax.fori_loop(0, NSTEPS, step, 0)

    for j in range(NBUF):
        k = (NSTEPS - NBUF + j) % NBUF
        pltpu.make_async_copy(
            x_v.at[k], o_hbm.at[0, pl.ds(base, R)], out_sem.at[k]
        ).wait()


@jax.jit
def _sc_add(x, pe):
    mesh = plsc.VectorSubcoreMesh(core_axis_name="c", subcore_axis_name="s")
    f = pl.kernel(
        _sc_body,
        out_type=jax.ShapeDtypeStruct((B, S, D), jnp.float32),
        mesh=mesh,
        scratch_types=[
            pltpu.VMEM((2, R, D), jnp.float32),
            pltpu.VMEM((NBUF, R, D), jnp.float32),
            pltpu.SemaphoreType.DMA((2,)),
            pltpu.SemaphoreType.DMA((NBUF,)),
            pltpu.SemaphoreType.DMA((NBUF,)),
        ],
    )
    return f(x, pe)


def kernel(x, pos_embedding):
    return _sc_add(x, pos_embedding)

# --- scband reference (transcript-rebuilt; emitter-appended) ---
"""Pipeline reference for scband-positional-encoding-31722628448260 (READ-ONLY COPY).

The authoritative reference and input builder live on the scoring server;
editing this copy changes nothing except your own understanding.
"""

import jax, jax.numpy as jnp
import numpy as np

D_MODEL = 1024
MAX_LEN = 4096
BATCH = 4
SEQ_LEN = 4096


def setup_inputs(seed: int = 0) -> dict:
    key = jax.random.key(seed)
    k1, k2 = jax.random.split(key)
    x = jax.random.normal(k1, (BATCH, SEQ_LEN, D_MODEL), dtype=jnp.float32)
    # nn.Embedding default init: N(0, 1)
    pos_embedding = jax.random.normal(k2, (MAX_LEN, D_MODEL), dtype=jnp.float32)
    return {"x": x, "pos_embedding": pos_embedding}


def reference(x, pos_embedding):
    batch_size, seq_len, _ = x.shape
    positions = jnp.arange(seq_len, dtype=jnp.int32)  # [S]
    positions = jnp.broadcast_to(positions[None, :], (batch_size, seq_len))  # [B, S]
    pe = jnp.take(pos_embedding, positions, axis=0)  # [B, S, D]
    return x + pe

if __name__ == "__main__":
    import jax
    _d = setup_inputs()
    print(jax.jit(kernel)(*tuple(_d.values())))

</pallas_src>

<mosaic_0001>
#map = affine_map<(d0, d1) -> (0, 0, 0)>
#map1 = affine_map<(d0, d1) -> (0, 0)>
module attributes {stable_mosaic.version = 14 : i64} {
  func.func @_sc_body(%arg0: i32, %arg1: i32, %arg2: memref<4x4096x1024xf32, #tpu.memory_space<hbm>>, %arg3: memref<4096x1024xf32, #tpu.memory_space<hbm>>, %arg4: memref<4x4096x1024xf32, #tpu.memory_space<hbm>>, %arg5: memref<2x8x1024xf32, #tpu.memory_space<vmem>>, %arg6: memref<10x8x1024xf32, #tpu.memory_space<vmem>>, %arg7: memref<2x!tpu.dma_semaphore, #tpu.memory_space<semaphore_mem>>, %arg8: memref<10x!tpu.dma_semaphore, #tpu.memory_space<semaphore_mem>>, %arg9: memref<10x!tpu.dma_semaphore, #tpu.memory_space<semaphore_mem>>) attributes {dimension_semantics = [#tpu.dimension_semantics<core_parallel>, #tpu.dimension_semantics<subcore_parallel>], iteration_bounds = array<i64: 2, 16>, scalar_prefetch = 0 : i64, scratch_operands = 5 : i64, tpu.core_type = #tpu.core_type<sc_vector_subcore>, window_params = [{transform_indices = #map}, {transform_indices = #map1}, {transform_indices = #map}]} {
    %mul3A = arith.constant 2 : i32
    %mul3A_0 = arith.muli %arg1, %mul3A : i32
    %add3A = arith.addi %mul3A_0, %arg0 : i32
    %mul3A_1 = arith.constant 128 : i32
    %mul3A_2 = arith.muli %add3A, %mul3A_1 : i32
    %dma_start3A = arith.constant 0 : i32
    %dma_start3A_3 = arith.constant 0 : i32
    %dma_start3A_4 = arith.constant 0 : i32
    %dma_start3A_5 = arith.constant 0 : i32
    %dma_start3A_6 = tpu.memref_slice %arg5[%dma_start3A, %dma_start3A_4, %dma_start3A_5] : memref<2x8x1024xf32, #tpu.memory_space<vmem>> -> memref<1x8x1024xf32, #tpu.memory_space<vmem>>
    %dma_start3A_7 = tpu.memref_squeeze %dma_start3A_6 : memref<1x8x1024xf32, #tpu.memory_space<vmem>> -> memref<8x1024xf32, #tpu.memory_space<vmem>>
    %dma_start3A_8 = arith.constant 0 : i32
    %dma_start3A_9 = tpu.memref_slice %arg3[%mul3A_2, %dma_start3A_8] : memref<4096x1024xf32, #tpu.memory_space<hbm>> -> memref<8x1024xf32, #tpu.memory_space<hbm>>
    %dma_start3A_10 = tpu.memref_slice %arg7[%dma_start3A_3] : memref<2x!tpu.dma_semaphore, #tpu.memory_space<semaphore_mem>> -> memref<1x!tpu.dma_semaphore, #tpu.memory_space<semaphore_mem>>
    %dma_start3A_11 = tpu.memref_squeeze %dma_start3A_10 : memref<1x!tpu.dma_semaphore, #tpu.memory_space<semaphore_mem>> -> memref<!tpu.dma_semaphore, #tpu.memory_space<semaphore_mem>>
    %dma_start3A_12 = arith.constant 0 : i32
    %dma_start3A_13 = arith.constant 0 : i32
    %dma_start3A_14 = tpu.memref_slice %arg5[%dma_start3A, %dma_start3A_12, %dma_start3A_13] : memref<2x8x1024xf32, #tpu.memory_space<vmem>> -> memref<1x8x1024xf32, #tpu.memory_space<vmem>>
    %dma_start3A_15 = tpu.memref_squeeze %dma_start3A_14 : memref<1x8x1024xf32, #tpu.memory_space<vmem>> -> memref<8x1024xf32, #tpu.memory_space<vmem>>
    %dma_start3A_16 = arith.constant 0 : i32
    %dma_start3A_17 = tpu.memref_slice %arg3[%mul3A_2, %dma_start3A_16] : memref<4096x1024xf32, #tpu.memory_space<hbm>> -> memref<8x1024xf32, #tpu.memory_space<hbm>>
    tpu.enqueue_dma source(%dma_start3A_17 : memref<8x1024xf32, #tpu.memory_space<hbm>>) target(%dma_start3A_15 : memref<8x1024xf32, #tpu.memory_space<vmem>>) target_semaphore(%dma_start3A_11 : memref<!tpu.dma_semaphore, #tpu.memory_space<semaphore_mem>>)
    %add3A_18 = arith.constant 0 : i32
    %add3A_19 = arith.addi %mul3A_2, %add3A_18 : i32
    %dma_start3A_20 = arith.constant 0 : i32
    %dma_start3A_21 = arith.constant 0 : i32
    %dma_start3A_22 = arith.constant 0 : i32
    %dma_start3A_23 = arith.constant 0 : i32
    %dma_start3A_24 = arith.constant 0 : i32
    %dma_start3A_25 = tpu.memref_slice %arg6[%dma_start3A_21, %dma_start3A_23, %dma_start3A_24] : memref<10x8x1024xf32, #tpu.memory_space<vmem>> -> memref<1x8x1024xf32, #tpu.memory_space<vmem>>
    %dma_start3A_26 = tpu.memref_squeeze %dma_start3A_25 : memref<1x8x1024xf32, #tpu.memory_space<vmem>> -> memref<8x1024xf32, #tpu.memory_space<vmem>>
    %dma_start3A_27 = arith.constant 0 : i32
    %dma_start3A_28 = tpu.memref_slice %arg2[%dma_start3A_20, %add3A_19, %dma_start3A_27] : memref<4x4096x1024xf32, #tpu.memory_space<hbm>> -> memref<1x8x1024xf32, #tpu.memory_space<hbm>>
    %dma_start3A_29 = tpu.memref_squeeze %dma_start3A_28 : memref<1x8x1024xf32, #tpu.memory_space<hbm>> -> memref<8x1024xf32, #tpu.memory_space<hbm>>
    %dma_start3A_30 = tpu.memref_slice %arg8[%dma_start3A_22] : memref<10x!tpu.dma_semaphore, #tpu.memory_space<semaphore_mem>> -> memref<1x!tpu.dma_semaphore, #tpu.memory_space<semaphore_mem>>
    %dma_start3A_31 = tpu.memref_squeeze %dma_start3A_30 : memref<1x!tpu.dma_semaphore, #tpu.memory_space<semaphore_mem>> -> memref<!tpu.dma_semaphore, #tpu.memory_space<semaphore_mem>>
    %dma_start3A_32 = arith.constant 0 : i32
    %dma_start3A_33 = arith.constant 0 : i32
    %dma_start3A_34 = tpu.memref_slice %arg6[%dma_start3A_21, %dma_start3A_32, %dma_start3A_33] : memref<10x8x1024xf32, #tpu.memory_space<vmem>> -> memref<1x8x1024xf32, #tpu.memory_space<vmem>>
    %dma_start3A_35 = tpu.memref_squeeze %dma_start3A_34 : memref<1x8x1024xf32, #tpu.memory_space<vmem>> -> memref<8x1024xf32, #tpu.memory_space<vmem>>
    %dma_start3A_36 = arith.constant 0 : i32
    %dma_start3A_37 = tpu.memref_slice %arg2[%dma_start3A_20, %add3A_19, %dma_start3A_36] : memref<4x4096x1024xf32, #tpu.memory_space<hbm>> -> memref<1x8x1024xf32, #tpu.memory_space<hbm>>
    %dma_start3A_38 = tpu.memref_squeeze %dma_start3A_37 : memref<1x8x1024xf32, #tpu.memory_space<hbm>> -> memref<8x1024xf32, #tpu.memory_space<hbm>>
    tpu.enqueue_dma source(%dma_start3A_38 : memref<8x1024xf32, #tpu.memory_space<hbm>>) target(%dma_start3A_35 : memref<8x1024xf32, #tpu.memory_space<vmem>>) target_semaphore(%dma_start3A_31 : memref<!tpu.dma_semaphore, #tpu.memory_space<semaphore_mem>>)
    %add3A_39 = arith.constant 0 : i32
    %add3A_40 = arith.addi %mul3A_2, %add3A_39 : i32
    %dma_start3A_41 = arith.constant 1 : i32
    %dma_start3A_42 = arith.constant 1 : i32
    %dma_start3A_43 = arith.constant 1 : i32
    %dma_start3A_44 = arith.constant 0 : i32
    %dma_start3A_45 = arith.constant 0 : i32
    %dma_start3A_46 = tpu.memref_slice %arg6[%dma_start3A_42, %dma_start3A_44, %dma_start3A_45] : memref<10x8x1024xf32, #tpu.memory_space<vmem>> -> memref<1x8x1024xf32, #tpu.memory_space<vmem>>
    %dma_start3A_47 = tpu.memref_squeeze %dma_start3A_46 : memref<1x8x1024xf32, #tpu.memory_space<vmem>> -> memref<8x1024xf32, #tpu.memory_space<vmem>>
    %dma_start3A_48 = arith.constant 0 : i32
    %dma_start3A_49 = tpu.memref_slice %arg2[%dma_start3A_41, %add3A_40, %dma_start3A_48] : memref<4x4096x1024xf32, #tpu.memory_space<hbm>> -> memref<1x8x1024xf32, #tpu.memory_space<hbm>>
    %dma_start3A_50 = tpu.memref_squeeze %dma_start3A_49 : memref<1x8x1024xf32, #tpu.memory_space<hbm>> -> memref<8x1024xf32, #tpu.memory_space<hbm>>
    %dma_start3A_51 = tpu.memref_slice %arg8[%dma_start3A_43] : memref<10x!tpu.dma_semaphore, #tpu.memory_space<semaphore_mem>> -> memref<1x!tpu.dma_semaphore, #tpu.memory_space<semaphore_mem>>
    %dma_start3A_52 = tpu.memref_squeeze %dma_start3A_51 : memref<1x!tpu.dma_semaphore, #tpu.memory_space<semaphore_mem>> -> memref<!tpu.dma_semaphore, #tpu.memory_space<semaphore_mem>>
    %dma_start3A_53 = arith.constant 0 : i32
    %dma_start3A_54 = arith.constant 0 : i32
    %dma_start3A_55 = tpu.memref_slice %arg6[%dma_start3A_42, %dma_start3A_53, %dma_start3A_54] : memref<10x8x1024xf32, #tpu.memory_space<vmem>> -> memref<1x8x1024xf32, #tpu.memory_space<vmem>>
    %dma_start3A_56 = tpu.memref_squeeze %dma_start3A_55 : memref<1x8x1024xf32, #tpu.memory_space<vmem>> -> memref<8x1024xf32, #tpu.memory_space<vmem>>
    %dma_start3A_57 = arith.constant 0 : i32
    %dma_start3A_58 = tpu.memref_slice %arg2[%dma_start3A_41, %add3A_40, %dma_start3A_57] : memref<4x4096x1024xf32, #tpu.memory_space<hbm>> -> memref<1x8x1024xf32, #tpu.memory_space<hbm>>
    %dma_start3A_59 = tpu.memref_squeeze %dma_start3A_58 : memref<1x8x1024xf32, #tpu.memory_space<hbm>> -> memref<8x1024xf32, #tpu.memory_space<hbm>>
    tpu.enqueue_dma source(%dma_start3A_59 : memref<8x1024xf32, #tpu.memory_space<hbm>>) target(%dma_start3A_56 : memref<8x1024xf32, #tpu.memory_space<vmem>>) target_semaphore(%dma_start3A_52 : memref<!tpu.dma_semaphore, #tpu.memory_space<semaphore_mem>>)
    %add3A_60 = arith.constant 0 : i32
    %add3A_61 = arith.addi %mul3A_2, %add3A_60 : i32
    %dma_start3A_62 = arith.constant 2 : i32
    %dma_start3A_63 = arith.constant 2 : i32
    %dma_start3A_64 = arith.constant 2 : i32
    %dma_start3A_65 = arith.constant 0 : i32
    %dma_start3A_66 = arith.constant 0 : i32
    %dma_start3A_67 = tpu.memref_slice %arg6[%dma_start3A_63, %dma_start3A_65, %dma_start3A_66] : memref<10x8x1024xf32, #tpu.memory_space<vmem>> -> memref<1x8x1024xf32, #tpu.memory_space<vmem>>
    %dma_start3A_68 = tpu.memref_squeeze %dma_start3A_67 : memref<1x8x1024xf32, #tpu.memory_space<vmem>> -> memref<8x1024xf32, #tpu.memory_space<vmem>>
    %dma_start3A_69 = arith.constant 0 : i32
    %dma_start3A_70 = tpu.memref_slice %arg2[%dma_start3A_62, %add3A_61, %dma_start3A_69] : memref<4x4096x1024xf32, #tpu.memory_space<hbm>> -> memref<1x8x1024xf32, #tpu.memory_space<hbm>>
    %dma_start3A_71 = tpu.memref_squeeze %dma_start3A_70 : memref<1x8x1024xf32, #tpu.memory_space<hbm>> -> memref<8x1024xf32, #tpu.memory_space<hbm>>
    %dma_start3A_72 = tpu.memref_slice %arg8[%dma_start3A_64] : memref<10x!tpu.dma_semaphore, #tpu.memory_space<semaphore_mem>> -> memref<1x!tpu.dma_semaphore, #tpu.memory_space<semaphore_mem>>
    %dma_start3A_73 = tpu.memref_squeeze %dma_start3A_72 : memref<1x!tpu.dma_semaphore, #tpu.memory_space<semaphore_mem>> -> memref<!tpu.dma_semaphore, #tpu.memory_space<semaphore_mem>>
    %dma_start3A_74 = arith.constant 0 : i32
    %dma_start3A_75 = arith.constant 0 : i32
    %dma_start3A_76 = tpu.memref_slice %arg6[%dma_start3A_63, %dma_start3A_74, %dma_start3A_75] : memref<10x8x1024xf32, #tpu.memory_space<vmem>> -> memref<1x8x1024xf32, #tpu.memory_space<vmem>>
    %dma_start3A_77 = tpu.memref_squeeze %dma_start3A_76 : memref<1x8x1024xf32, #tpu.memory_space<vmem>> -> memref<8x1024xf32, #tpu.memory_space<vmem>>
    %dma_start3A_78 = arith.constant 0 : i32
    %dma_start3A_79 = tpu.memref_slice %arg2[%dma_start3A_62, %add3A_61, %dma_start3A_78] : memref<4x4096x1024xf32, #tpu.memory_space<hbm>> -> memref<1x8x1024xf32, #tpu.memory_space<hbm>>
    %dma_start3A_80 = tpu.memref_squeeze %dma_start3A_79 : memref<1x8x1024xf32, #tpu.memory_space<hbm>> -> memref<8x1024xf32, #tpu.memory_space<hbm>>
    tpu.enqueue_dma source(%dma_start3A_80 : memref<8x1024xf32, #tpu.memory_space<hbm>>) target(%dma_start3A_77 : memref<8x1024xf32, #tpu.memory_space<vmem>>) target_semaphore(%dma_start3A_73 : memref<!tpu.dma_semaphore, #tpu.memory_space<semaphore_mem>>)
    %add3A_81 = arith.constant 0 : i32
    %add3A_82 = arith.addi %mul3A_2, %add3A_81 : i32
    %dma_start3A_83 = arith.constant 3 : i32
    %dma_start3A_84 = arith.constant 3 : i32
    %dma_start3A_85 = arith.constant 3 : i32
    %dma_start3A_86 = arith.constant 0 : i32
    %dma_start3A_87 = arith.constant 0 : i32
    %dma_start3A_88 = tpu.memref_slice %arg6[%dma_start3A_84, %dma_start3A_86, %dma_start3A_87] : memref<10x8x1024xf32, #tpu.memory_space<vmem>> -> memref<1x8x1024xf32, #tpu.memory_space<vmem>>
    %dma_start3A_89 = tpu.memref_squeeze %dma_start3A_88 : memref<1x8x1024xf32, #tpu.memory_space<vmem>> -> memref<8x1024xf32, #tpu.memory_space<vmem>>
    %dma_start3A_90 = arith.constant 0 : i32
    %dma_start3A_91 = tpu.memref_slice %arg2[%dma_start3A_83, %add3A_82, %dma_start3A_90] : memref<4x4096x1024xf32, #tpu.memory_space<hbm>> -> memref<1x8x1024xf32, #tpu.memory_space<hbm>>
    %dma_start3A_92 = tpu.memref_squeeze %dma_start3A_91 : memref<1x8x1024xf32, #tpu.memory_space<hbm>> -> memref<8x1024xf32, #tpu.memory_space<hbm>>
    %dma_start3A_93 = tpu.memref_slice %arg8[%dma_start3A_85] : memref<10x!tpu.dma_semaphore, #tpu.memory_space<semaphore_mem>> -> memref<1x!tpu.dma_semaphore, #tpu.memory_space<semaphore_mem>>
    %dma_start3A_94 = tpu.memref_squeeze %dma_start3A_93 : memref<1x!tpu.dma_semaphore, #tpu.memory_space<semaphore_mem>> -> memref<!tpu.dma_semaphore, #tpu.memory_space<semaphore_mem>>
    %dma_start3A_95 = arith.constant 0 : i32
    %dma_start3A_96 = arith.constant 0 : i32
    %dma_start3A_97 = tpu.memref_slice %arg6[%dma_start3A_84, %dma_start3A_95, %dma_start3A_96] : memref<10x8x1024xf32, #tpu.memory_space<vmem>> -> memref<1x8x1024xf32, #tpu.memory_space<vmem>>
    %dma_start3A_98 = tpu.memref_squeeze %dma_start3A_97 : memref<1x8x1024xf32, #tpu.memory_space<vmem>> -> memref<8x1024xf32, #tpu.memory_space<vmem>>
    %dma_start3A_99 = arith.constant 0 : i32
    %dma_start3A_100 = tpu.memref_slice %arg2[%dma_start3A_83, %add3A_82, %dma_start3A_99] : memref<4x4096x1024xf32, #tpu.memory_space<hbm>> -> memref<1x8x1024xf32, #tpu.memory_space<hbm>>
    %dma_start3A_101 = tpu.memref_squeeze %dma_start3A_100 : memref<1x8x1024xf32, #tpu.memory_space<hbm>> -> memref<8x1024xf32, #tpu.memory_space<hbm>>
    tpu.enqueue_dma source(%dma_start3A_101 : memref<8x1024xf32, #tpu.memory_space<hbm>>) target(%dma_start3A_98 : memref<8x1024xf32, #tpu.memory_space<vmem>>) target_semaphore(%dma_start3A_94 : memref<!tpu.dma_semaphore, #tpu.memory_space<semaphore_mem>>)
    %add3A_102 = arith.constant 8 : i32
    %add3A_103 = arith.addi %mul3A_2, %add3A_102 : i32
    %dma_start3A_104 = arith.constant 0 : i32
    %dma_start3A_105 = arith.constant 4 : i32
    %dma_start3A_106 = arith.constant 4 : i32
    %dma_start3A_107 = arith.constant 0 : i32
    %dma_start3A_108 = arith.constant 0 : i32
    %dma_start3A_109 = tpu.memref_slice %arg6[%dma_start3A_105, %dma_start3A_107, %dma_start3A_108] : memref<10x8x1024xf32, #tpu.memory_space<vmem>> -> memref<1x8x1024xf32, #tpu.memory_space<vmem>>
    %dma_start3A_110 = tpu.memref_squeeze %dma_start3A_109 : memref<1x8x1024xf32, #tpu.memory_space<vmem>> -> memref<8x1024xf32, #tpu.memory_space<vmem>>
    %dma_start3A_111 = arith.constant 0 : i32
    %dma_start3A_112 = tpu.memref_slice %arg2[%dma_start3A_104, %add3A_103, %dma_start3A_111] : memref<4x4096x1024xf32, #tpu.memory_space<hbm>> -> memref<1x8x1024xf32, #tpu.memory_space<hbm>>
    %dma_start3A_113 = tpu.memref_squeeze %dma_start3A_112 : memref<1x8x1024xf32, #tpu.memory_space<hbm>> -> memref<8x1024xf32, #tpu.memory_space<hbm>>
    %dma_start3A_114 = tpu.memref_slice %arg8[%dma_start3A_106] : memref<10x!tpu.dma_semaphore, #tpu.memory_space<semaphore_mem>> -> memref<1x!tpu.dma_semaphore, #tpu.memory_space<semaphore_mem>>
    %dma_start3A_115 = tpu.memref_squeeze %dma_start3A_114 : memref<1x!tpu.dma_semaphore, #tpu.memory_space<semaphore_mem>> -> memref<!tpu.dma_semaphore, #tpu.memory_space<semaphore_mem>>
    %dma_start3A_116 = arith.constant 0 : i32
    %dma_start3A_117 = arith.constant 0 : i32
    %dma_start3A_118 = tpu.memref_slice %arg6[%dma_start3A_105, %dma_start3A_116, %dma_start3A_117] : memref<10x8x1024xf32, #tpu.memory_space<vmem>> -> memref<1x8x1024xf32, #tpu.memory_space<vmem>>
    %dma_start3A_119 = tpu.memref_squeeze %dma_start3A_118 : memref<1x8x1024xf32, #tpu.memory_space<vmem>> -> memref<8x1024xf32, #tpu.memory_space<vmem>>
    %dma_start3A_120 = arith.constant 0 : i32
    %dma_start3A_121 = tpu.memref_slice %arg2[%dma_start3A_104, %add3A_103, %dma_start3A_120] : memref<4x4096x1024xf32, #tpu.memory_space<hbm>> -> memref<1x8x1024xf32, #tpu.memory_space<hbm>>
    %dma_start3A_122 = tpu.memref_squeeze %dma_start3A_121 : memref<1x8x1024xf32, #tpu.memory_space<hbm>> -> memref<8x1024xf32, #tpu.memory_space<hbm>>
    tpu.enqueue_dma source(%dma_start3A_122 : memref<8x1024xf32, #tpu.memory_space<hbm>>) target(%dma_start3A_119 : memref<8x1024xf32, #tpu.memory_space<vmem>>) target_semaphore(%dma_start3A_115 : memref<!tpu.dma_semaphore, #tpu.memory_space<semaphore_mem>>)
    %add3A_123 = arith.constant 8 : i32
    %add3A_124 = arith.addi %mul3A_2, %add3A_123 : i32
    %dma_start3A_125 = arith.constant 1 : i32
    %dma_start3A_126 = arith.constant 5 : i32
    %dma_start3A_127 = arith.constant 5 : i32
    %dma_start3A_128 = arith.constant 0 : i32
    %dma_start3A_129 = arith.constant 0 : i32
    %dma_start3A_130 = tpu.memref_slice %arg6[%dma_start3A_126, %dma_start3A_128, %dma_start3A_129] : memref<10x8x1024xf32, #tpu.memory_space<vmem>> -> memref<1x8x1024xf32, #tpu.memory_space<vmem>>
    %dma_start3A_131 = tpu.memref_squeeze %dma_start3A_130 : memref<1x8x1024xf32, #tpu.memory_space<vmem>> -> memref<8x1024xf32, #tpu.memory_space<vmem>>
    %dma_start3A_132 = arith.constant 0 : i32
    %dma_start3A_133 = tpu.memref_slice %arg2[%dma_start3A_125, %add3A_124, %dma_start3A_132] : memref<4x4096x1024xf32, #tpu.memory_space<hbm>> -> memref<1x8x1024xf32, #tpu.memory_space<hbm>>
    %dma_start3A_134 = tpu.memref_squeeze %dma_start3A_133 : memref<1x8x1024xf32, #tpu.memory_space<hbm>> -> memref<8x1024xf32, #tpu.memory_space<hbm>>
    %dma_start3A_135 = tpu.memref_slice %arg8[%dma_start3A_127] : memref<10x!tpu.dma_semaphore, #tpu.memory_space<semaphore_mem>> -> memref<1x!tpu.dma_semaphore, #tpu.memory_space<semaphore_mem>>
    %dma_start3A_136 = tpu.memref_squeeze %dma_start3A_135 : memref<1x!tpu.dma_semaphore, #tpu.memory_space<semaphore_mem>> -> memref<!tpu.dma_semaphore, #tpu.memory_space<semaphore_mem>>
    %dma_start3A_137 = arith.constant 0 : i32
    %dma_start3A_138 = arith.constant 0 : i32
    %dma_start3A_139 = tpu.memref_slice %arg6[%dma_start3A_126, %dma_start3A_137, %dma_start3A_138] : memref<10x8x1024xf32, #tpu.memory_space<vmem>> -> memref<1x8x1024xf32, #tpu.memory_space<vmem>>
    %dma_start3A_140 = tpu.memref_squeeze %dma_start3A_139 : memref<1x8x1024xf32, #tpu.memory_space<vmem>> -> memref<8x1024xf32, #tpu.memory_space<vmem>>
    %dma_start3A_141 = arith.constant 0 : i32
    %dma_start3A_142 = tpu.memref_slice %arg2[%dma_start3A_125, %add3A_124, %dma_start3A_141] : memref<4x4096x1024xf32, #tpu.memory_space<hbm>> -> memref<1x8x1024xf32, #tpu.memory_space<hbm>>
    %dma_start3A_143 = tpu.memref_squeeze %dma_start3A_142 : memref<1x8x1024xf32, #tpu.memory_space<hbm>> -> memref<8x1024xf32, #tpu.memory_space<hbm>>
    tpu.enqueue_dma source(%dma_start3A_143 : memref<8x1024xf32, #tpu.memory_space<hbm>>) target(%dma_start3A_140 : memref<8x1024xf32, #tpu.memory_space<vmem>>) target_semaphore(%dma_start3A_136 : memref<!tpu.dma_semaphore, #tpu.memory_space<semaphore_mem>>)
    %scan3A = arith.constant 0 : i32
    %scan3A_144 = arith.constant 0 : i32
    %scan3A_145 = arith.constant 64 : i32
    %scan3A_146 = arith.addi %scan3A_144, %scan3A_145 : i32
    %scan3A_147 = arith.constant 1 : i32
    %scan3A_148 = scf.for %scan3A_339 = %scan3A_144 to %scan3A_146 step %scan3A_147 iter_args(%scan3A_340 = %scan3A) -> (i32)  : i32 {
      %jit3A = arith.constant 4 : i32
      %div3A = arith.divsi %scan3A_339, %jit3A : i32
      %sign3A = arith.constant 0 : i32
      %sign3A_341 = arith.cmpi sgt, %scan3A_339, %sign3A : i32
      %sign3A_342 = arith.extui %sign3A_341 : i1 to i32
      %sign3A_343 = arith.constant 0 : i32
      %sign3A_344 = arith.cmpi slt, %scan3A_339, %sign3A_343 : i32
      %sign3A_345 = arith.extui %sign3A_344 : i1 to i32
      %sign3A_346 = arith.subi %sign3A_342, %sign3A_345 : i32
      %sign3A_347 = arith.constant 0 : i32
      %sign3A_348 = arith.cmpi sgt, %jit3A, %sign3A_347 : i32
      %sign3A_349 = arith.extui %sign3A_348 : i1 to i32
      %sign3A_350 = arith.constant 0 : i32
      %sign3A_351 = arith.cmpi slt, %jit3A, %sign3A_350 : i32
      %sign3A_352 = arith.extui %sign3A_351 : i1 to i32
      %sign3A_353 = arith.subi %sign3A_349, %sign3A_352 : i32
      %ne3A = arith.cmpi ne, %sign3A_346, %sign3A_353 : i32
      %rem3A = arith.remsi %scan3A_339, %jit3A : i32
      %ne3A_354 = arith.constant 0 : i32
      %ne3A_355 = arith.cmpi ne, %rem3A, %ne3A_354 : i32
      %and3A = arith.andi %ne3A, %ne3A_355 : i1
      %sub3A = arith.constant 1 : i32
      %sub3A_356 = arith.subi %div3A, %sub3A : i32
      %select_n3A = arith.select %and3A, %sub3A_356, %div3A : i32
      %jit3A_357 = arith.constant 4 : i32
      %eq3A = arith.constant 0 : i32
      %eq3A_358 = arith.cmpi eq, %jit3A_357, %eq3A : i32
      %jit3A_359 = arith.constant 1 : i32
      %select_n3A_360 = arith.select %eq3A_358, %jit3A_359, %jit3A_357 : i32
      %rem3A_361 = arith.remsi %scan3A_339, %select_n3A_360 : i32
      %ne3A_362 = arith.constant 0 : i32
      %ne3A_363 = arith.cmpi ne, %rem3A_361, %ne3A_362 : i32
      %lt3A = arith.constant 0 : i32
      %lt3A_364 = arith.cmpi slt, %rem3A_361, %lt3A : i32
      %lt3A_365 = arith.constant 0 : i32
      %lt3A_366 = arith.cmpi slt, %select_n3A_360, %lt3A_365 : i32
      %ne3A_367 = arith.xori %lt3A_364, %lt3A_366 : i1
      %and3A_368 = arith.andi %ne3A_367, %ne3A_363 : i1
      %add3A_369 = arith.addi %rem3A_361, %select_n3A_360 : i32
      %select_n3A_370 = arith.select %and3A_368, %add3A_369, %rem3A_361 : i32
      %rem3A_371 = arith.constant 10 : i32
      %rem3A_372 = arith.remsi %scan3A_339, %rem3A_371 : i32
      %mul3A_373 = arith.constant 8 : i32
      %mul3A_374 = arith.muli %select_n3A, %mul3A_373 : i32
      %add3A_375 = arith.addi %mul3A_2, %mul3A_374 : i32
      %eq3A_376 = arith.constant 0 : i32
      %eq3A_377 = arith.cmpi eq, %select_n3A_370, %eq3A_376 : i32
      %add3A_378 = arith.constant 1 : i32
      %add3A_379 = arith.addi %select_n3A, %add3A_378 : i32
      %lt3A_380 = arith.constant 16 : i32
      %lt3A_381 = arith.cmpi slt, %add3A_379, %lt3A_380 : i32
      %and3A_382 = arith.andi %eq3A_377, %lt3A_381 : i1
      %convert_element_type3A = arith.extui %and3A_382 : i1 to i32
      %cond3A = arith.constant 0 : i32
      %cond3A_383 = arith.cmpi ne, %convert_element_type3A, %cond3A : i32
      scf.if %cond3A_383 {
        %add3A_433 = arith.constant 8 : i32
        %add3A_434 = arith.addi %add3A_375, %add3A_433 : i32
        %add3A_435 = arith.constant 1 : i32
        %add3A_436 = arith.addi %select_n3A, %add3A_435 : i32
        %rem3A_437 = arith.constant 2 : i32
        %rem3A_438 = arith.remsi %add3A_436, %rem3A_437 : i32
        %add3A_439 = arith.constant 1 : i32
        %add3A_440 = arith.addi %select_n3A, %add3A_439 : i32
        %rem3A_441 = arith.constant 2 : i32
        %rem3A_442 = arith.remsi %add3A_440, %rem3A_441 : i32
        %dma_start3A_443 = arith.constant 0 : i32
        %dma_start3A_444 = arith.constant 0 : i32
        %dma_start3A_445 = tpu.memref_slice %arg5[%rem3A_438, %dma_start3A_443, %dma_start3A_444] : memref<2x8x1024xf32, #tpu.memory_space<vmem>> -> memref<1x8x1024xf32, #tpu.memory_space<vmem>>
        %dma_start3A_446 = tpu.memref_squeeze %dma_start3A_445 : memref<1x8x1024xf32, #tpu.memory_space<vmem>> -> memref<8x1024xf32, #tpu.memory_space<vmem>>
        %dma_start3A_447 = arith.constant 0 : i32
        %dma_start3A_448 = tpu.memref_slice %arg3[%add3A_434, %dma_start3A_447] : memref<4096x1024xf32, #tpu.memory_space<hbm>> -> memref<8x1024xf32, #tpu.memory_space<hbm>>
        %dma_start3A_449 = tpu.memref_slice %arg7[%rem3A_442] : memref<2x!tpu.dma_semaphore, #tpu.memory_space<semaphore_mem>> -> memref<1x!tpu.dma_semaphore, #tpu.memory_space<semaphore_mem>>
        %dma_start3A_450 = tpu.memref_squeeze %dma_start3A_449 : memref<1x!tpu.dma_semaphore, #tpu.memory_space<semaphore_mem>> -> memref<!tpu.dma_semaphore, #tpu.memory_space<semaphore_mem>>
        %dma_start3A_451 = arith.constant 0 : i32
        %dma_start3A_452 = arith.constant 0 : i32
        %dma_start3A_453 = tpu.memref_slice %arg5[%rem3A_438, %dma_start3A_451, %dma_start3A_452] : memref<2x8x1024xf32, #tpu.memory_space<vmem>> -> memref<1x8x1024xf32, #tpu.memory_space<vmem>>
        %dma_start3A_454 = tpu.memref_squeeze %dma_start3A_453 : memref<1x8x1024xf32, #tpu.memory_space<vmem>> -> memref<8x1024xf32, #tpu.memory_space<vmem>>
        %dma_start3A_455 = arith.constant 0 : i32
        %dma_start3A_456 = tpu.memref_slice %arg3[%add3A_434, %dma_start3A_455] : memref<4096x1024xf32, #tpu.memory_space<hbm>> -> memref<8x1024xf32, #tpu.memory_space<hbm>>
        tpu.enqueue_dma source(%dma_start3A_456 : memref<8x1024xf32, #tpu.memory_space<hbm>>) target(%dma_start3A_454 : memref<8x1024xf32, #tpu.memory_space<vmem>>) target_semaphore(%dma_start3A_450 : memref<!tpu.dma_semaphore, #tpu.memory_space<semaphore_mem>>)
      } else {
      }
      %add3A_384 = arith.constant 6 : i32
      %add3A_385 = arith.addi %scan3A_339, %add3A_384 : i32
      %lt3A_386 = arith.constant 64 : i32
      %lt3A_387 = arith.cmpi slt, %add3A_385, %lt3A_386 : i32
      %convert_element_type3A_388 = arith.extui %lt3A_387 : i1 to i32
      %cond3A_389 = arith.constant 0 : i32
      %cond3A_390 = arith.cmpi ne, %convert_element_type3A_388, %cond3A_389 : i32
      scf.if %cond3A_390 {
        %add3A_433 = arith.constant 6 : i32
        %add3A_434 = arith.addi %scan3A_339, %add3A_433 : i32
        %jit3A_435 = arith.constant 4 : i32
        %div3A_436 = arith.divsi %add3A_434, %jit3A_435 : i32
        %sign3A_437 = arith.constant 0 : i32
        %sign3A_438 = arith.cmpi sgt, %add3A_434, %sign3A_437 : i32
        %sign3A_439 = arith.extui %sign3A_438 : i1 to i32
        %sign3A_440 = arith.constant 0 : i32
        %sign3A_441 = arith.cmpi slt, %add3A_434, %sign3A_440 : i32
        %sign3A_442 = arith.extui %sign3A_441 : i1 to i32
        %sign3A_443 = arith.subi %sign3A_439, %sign3A_442 : i32
        %sign3A_444 = arith.constant 0 : i32
        %sign3A_445 = arith.cmpi sgt, %jit3A_435, %sign3A_444 : i32
        %sign3A_446 = arith.extui %sign3A_445 : i1 to i32
        %sign3A_447 = arith.constant 0 : i32
        %sign3A_448 = arith.cmpi slt, %jit3A_435, %sign3A_447 : i32
        %sign3A_449 = arith.extui %sign3A_448 : i1 to i32
        %sign3A_450 = arith.subi %sign3A_446, %sign3A_449 : i32
        %ne3A_451 = arith.cmpi ne, %sign3A_443, %sign3A_450 : i32
        %rem3A_452 = arith.remsi %add3A_434, %jit3A_435 : i32
        %ne3A_453 = arith.constant 0 : i32
        %ne3A_454 = arith.cmpi ne, %rem3A_452, %ne3A_453 : i32
        %and3A_455 = arith.andi %ne3A_451, %ne3A_454 : i1
        %sub3A_456 = arith.constant 1 : i32
        %sub3A_457 = arith.subi %div3A_436, %sub3A_456 : i32
        %select_n3A_458 = arith.select %and3A_455, %sub3A_457, %div3A_436 : i32
        %jit3A_459 = arith.constant 4 : i32
        %eq3A_460 = arith.constant 0 : i32
        %eq3A_461 = arith.cmpi eq, %jit3A_459, %eq3A_460 : i32
        %jit3A_462 = arith.constant 1 : i32
        %select_n3A_463 = arith.select %eq3A_461, %jit3A_462, %jit3A_459 : i32
        %rem3A_464 = arith.remsi %add3A_434, %select_n3A_463 : i32
        %ne3A_465 = arith.constant 0 : i32
        %ne3A_466 = arith.cmpi ne, %rem3A_464, %ne3A_465 : i32
        %lt3A_467 = arith.constant 0 : i32
        %lt3A_468 = arith.cmpi slt, %rem3A_464, %lt3A_467 : i32
        %lt3A_469 = arith.constant 0 : i32
        %lt3A_470 = arith.cmpi slt, %select_n3A_463, %lt3A_469 : i32
        %ne3A_471 = arith.xori %lt3A_468, %lt3A_470 : i1
        %and3A_472 = arith.andi %ne3A_471, %ne3A_466 : i1
        %add3A_473 = arith.addi %rem3A_464, %select_n3A_463 : i32
        %select_n3A_474 = arith.select %and3A_472, %add3A_473, %rem3A_464 : i32
        %rem3A_475 = arith.constant 10 : i32
        %rem3A_476 = arith.remsi %add3A_434, %rem3A_475 : i32
        %ge3A = arith.constant 4 : i32
        %ge3A_477 = arith.cmpi sge, %scan3A_339, %ge3A : i32
        %convert_element_type3A_478 = arith.extui %ge3A_477 : i1 to i32
        %cond3A_479 = arith.constant 0 : i32
        %cond3A_480 = arith.cmpi ne, %convert_element_type3A_478, %cond3A_479 : i32
        scf.if %cond3A_480 {
          %dma_wait3A_500 = arith.constant 0 : i32
          %dma_wait3A_501 = arith.constant 0 : i32
          %dma_wait3A_502 = arith.constant 0 : i32
          %dma_wait3A_503 = tpu.memref_slice %arg6[%rem3A_476, %dma_wait3A_501, %dma_wait3A_502] : memref<10x8x1024xf32, #tpu.memory_space<vmem>> -> memref<1x8x1024xf32, #tpu.memory_space<vmem>>
          %dma_wait3A_504 = tpu.memref_squeeze %dma_wait3A_503 : memref<1x8x1024xf32, #tpu.memory_space<vmem>> -> memref<8x1024xf32, #tpu.memory_space<vmem>>
          %dma_wait3A_505 = arith.constant 0 : i32
          %dma_wait3A_506 = tpu.memref_slice %arg4[%dma_wait3A_500, %mul3A_2, %dma_wait3A_505] : memref<4x4096x1024xf32, #tpu.memory_space<hbm>> -> memref<1x8x1024xf32, #tpu.memory_space<hbm>>
          %dma_wait3A_507 = tpu.memref_squeeze %dma_wait3A_506 : memref<1x8x1024xf32, #tpu.memory_space<hbm>> -> memref<8x1024xf32, #tpu.memory_space<hbm>>
          %dma_wait3A_508 = tpu.memref_slice %arg9[%rem3A_476] : memref<10x!tpu.dma_semaphore, #tpu.memory_space<semaphore_mem>> -> memref<1x!tpu.dma_semaphore, #tpu.memory_space<semaphore_mem>>
          %dma_wait3A_509 = tpu.memref_squeeze %dma_wait3A_508 : memref<1x!tpu.dma_semaphore, #tpu.memory_space<semaphore_mem>> -> memref<!tpu.dma_semaphore, #tpu.memory_space<semaphore_mem>>
          %dma_wait3A_510 = arith.constant 0 : i32
          %dma_wait3A_511 = tpu.memref_slice %arg4[%dma_wait3A_500, %mul3A_2, %dma_wait3A_510] : memref<4x4096x1024xf32, #tpu.memory_space<hbm>> -> memref<1x8x1024xf32, #tpu.memory_space<hbm>>
          %dma_wait3A_512 = tpu.memref_squeeze %dma_wait3A_511 : memref<1x8x1024xf32, #tpu.memory_space<hbm>> -> memref<8x1024xf32, #tpu.memory_space<hbm>>
          %dma_wait3A_513 = arith.constant 0 : i32
          %dma_wait3A_514 = arith.constant 0 : i32
          %dma_wait3A_515 = tpu.memref_slice %arg6[%rem3A_476, %dma_wait3A_513, %dma_wait3A_514] : memref<10x8x1024xf32, #tpu.memory_space<vmem>> -> memref<1x8x1024xf32, #tpu.memory_space<vmem>>
          %dma_wait3A_516 = tpu.memref_squeeze %dma_wait3A_515 : memref<1x8x1024xf32, #tpu.memory_space<vmem>> -> memref<8x1024xf32, #tpu.memory_space<vmem>>
          tpu.wait_dma2 semaphore(%dma_wait3A_509 : memref<!tpu.dma_semaphore, #tpu.memory_space<semaphore_mem>>) src(%dma_wait3A_516 : memref<8x1024xf32, #tpu.memory_space<vmem>>) dst(%dma_wait3A_512 : memref<8x1024xf32, #tpu.memory_space<hbm>>)
        } else {
        }
        %mul3A_481 = arith.constant 8 : i32
        %mul3A_482 = arith.muli %select_n3A_458, %mul3A_481 : i32
        %add3A_483 = arith.addi %mul3A_2, %mul3A_482 : i32
        %dma_start3A_484 = arith.constant 0 : i32
        %dma_start3A_485 = arith.constant 0 : i32
        %dma_start3A_486 = tpu.memref_slice %arg6[%rem3A_476, %dma_start3A_484, %dma_start3A_485] : memref<10x8x1024xf32, #tpu.memory_space<vmem>> -> memref<1x8x1024xf32, #tpu.memory_space<vmem>>
        %dma_start3A_487 = tpu.memref_squeeze %dma_start3A_486 : memref<1x8x1024xf32, #tpu.memory_space<vmem>> -> memref<8x1024xf32, #tpu.memory_space<vmem>>
        %dma_start3A_488 = arith.constant 0 : i32
        %dma_start3A_489 = tpu.memref_slice %arg2[%select_n3A_474, %add3A_483, %dma_start3A_488] : memref<4x4096x1024xf32, #tpu.memory_space<hbm>> -> memref<1x8x1024xf32, #tpu.memory_space<hbm>>
        %dma_start3A_490 = tpu.memref_squeeze %dma_start3A_489 : memref<1x8x1024xf32, #tpu.memory_space<hbm>> -> memref<8x1024xf32, #tpu.memory_space<hbm>>
        %dma_start3A_491 = tpu.memref_slice %arg8[%rem3A_476] : memref<10x!tpu.dma_semaphore, #tpu.memory_space<semaphore_mem>> -> memref<1x!tpu.dma_semaphore, #tpu.memory_space<semaphore_mem>>
        %dma_start3A_492 = tpu.memref_squeeze %dma_start3A_491 : memref<1x!tpu.dma_semaphore, #tpu.memory_space<semaphore_mem>> -> memref<!tpu.dma_semaphore, #tpu.memory_space<semaphore_mem>>
        %dma_start3A_493 = arith.constant 0 : i32
        %dma_start3A_494 = arith.constant 0 : i32
        %dma_start3A_495 = tpu.memref_slice %arg6[%rem3A_476, %dma_start3A_493, %dma_start3A_494] : memref<10x8x1024xf32, #tpu.memory_space<vmem>> -> memref<1x8x1024xf32, #tpu.memory_space<vmem>>
        %dma_start3A_496 = tpu.memref_squeeze %dma_start3A_495 : memref<1x8x1024xf32, #tpu.memory_space<vmem>> -> memref<8x1024xf32, #tpu.memory_space<vmem>>
        %dma_start3A_497 = arith.constant 0 : i32
        %dma_start3A_498 = tpu.memref_slice %arg2[%select_n3A_474, %add3A_483, %dma_start3A_497] : memref<4x4096x1024xf32, #tpu.memory_space<hbm>> -> memref<1x8x1024xf32, #tpu.memory_space<hbm>>
        %dma_start3A_499 = tpu.memref_squeeze %dma_start3A_498 : memref<1x8x1024xf32, #tpu.memory_space<hbm>> -> memref<8x1024xf32, #tpu.memory_space<hbm>>
        tpu.enqueue_dma source(%dma_start3A_499 : memref<8x1024xf32, #tpu.memory_space<hbm>>) target(%dma_start3A_496 : memref<8x1024xf32, #tpu.memory_space<vmem>>) target_semaphore(%dma_start3A_492 : memref<!tpu.dma_semaphore, #tpu.memory_space<semaphore_mem>>)
      } else {
      }
      %eq3A_391 = arith.constant 0 : i32
      %eq3A_392 = arith.cmpi eq, %select_n3A_370, %eq3A_391 : i32
      %convert_element_type3A_393 = arith.extui %eq3A_392 : i1 to i32
      %cond3A_394 = arith.constant 0 : i32
      %cond3A_395 = arith.cmpi ne, %convert_element_type3A_393, %cond3A_394 : i32
      scf.if %cond3A_395 {
        %rem3A_433 = arith.constant 2 : i32
        %rem3A_434 = arith.remsi %select_n3A, %rem3A_433 : i32
        %rem3A_435 = arith.constant 2 : i32
        %rem3A_436 = arith.remsi %select_n3A, %rem3A_435 : i32
        %dma_wait3A_437 = arith.constant 0 : i32
        %dma_wait3A_438 = arith.constant 0 : i32
        %dma_wait3A_439 = tpu.memref_slice %arg5[%rem3A_434, %dma_wait3A_437, %dma_wait3A_438] : memref<2x8x1024xf32, #tpu.memory_space<vmem>> -> memref<1x8x1024xf32, #tpu.memory_space<vmem>>
        %dma_wait3A_440 = tpu.memref_squeeze %dma_wait3A_439 : memref<1x8x1024xf32, #tpu.memory_space<vmem>> -> memref<8x1024xf32, #tpu.memory_space<vmem>>
        %dma_wait3A_441 = arith.constant 0 : i32
        %dma_wait3A_442 = tpu.memref_slice %arg3[%add3A_375, %dma_wait3A_441] : memref<4096x1024xf32, #tpu.memory_space<hbm>> -> memref<8x1024xf32, #tpu.memory_space<hbm>>
        %dma_wait3A_443 = tpu.memref_slice %arg7[%rem3A_436] : memref<2x!tpu.dma_semaphore, #tpu.memory_space<semaphore_mem>> -> memref<1x!tpu.dma_semaphore, #tpu.memory_space<semaphore_mem>>
        %dma_wait3A_444 = tpu.memref_squeeze %dma_wait3A_443 : memref<1x!tpu.dma_semaphore, #tpu.memory_space<semaphore_mem>> -> memref<!tpu.dma_semaphore, #tpu.memory_space<semaphore_mem>>
        %dma_wait3A_445 = arith.constant 0 : i32
        %dma_wait3A_446 = arith.constant 0 : i32
        %dma_wait3A_447 = tpu.memref_slice %arg5[%rem3A_434, %dma_wait3A_445, %dma_wait3A_446] : memref<2x8x1024xf32, #tpu.memory_space<vmem>> -> memref<1x8x1024xf32, #tpu.memory_space<vmem>>
        %dma_wait3A_448 = tpu.memref_squeeze %dma_wait3A_447 : memref<1x8x1024xf32, #tpu.memory_space<vmem>> -> memref<8x1024xf32, #tpu.memory_space<vmem>>
        %dma_wait3A_449 = arith.constant 0 : i32
        %dma_wait3A_450 = tpu.memref_slice %arg3[%add3A_375, %dma_wait3A_449] : memref<4096x1024xf32, #tpu.memory_space<hbm>> -> memref<8x1024xf32, #tpu.memory_space<hbm>>
        tpu.wait_dma2 semaphore(%dma_wait3A_444 : memref<!tpu.dma_semaphore, #tpu.memory_space<semaphore_mem>>) src(%dma_wait3A_450 : memref<8x1024xf32, #tpu.memory_space<hbm>>) dst(%dma_wait3A_448 : memref<8x1024xf32, #tpu.memory_space<vmem>>)
      } else {
      }
      %dma_wait3A_396 = arith.constant 0 : i32
      %dma_wait3A_397 = arith.constant 0 : i32
      %dma_wait3A_398 = tpu.memref_slice %arg6[%rem3A_372, %dma_wait3A_396, %dma_wait3A_397] : memref<10x8x1024xf32, #tpu.memory_space<vmem>> -> memref<1x8x1024xf32, #tpu.memory_space<vmem>>
      %dma_wait3A_399 = tpu.memref_squeeze %dma_wait3A_398 : memref<1x8x1024xf32, #tpu.memory_space<vmem>> -> memref<8x1024xf32, #tpu.memory_space<vmem>>
      %dma_wait3A_400 = arith.constant 0 : i32
      %dma_wait3A_401 = tpu.memref_slice %arg2[%select_n3A_370, %add3A_375, %dma_wait3A_400] : memref<4x4096x1024xf32, #tpu.memory_space<hbm>> -> memref<1x8x1024xf32, #tpu.memory_space<hbm>>
      %dma_wait3A_402 = tpu.memref_squeeze %dma_wait3A_401 : memref<1x8x1024xf32, #tpu.memory_space<hbm>> -> memref<8x1024xf32, #tpu.memory_space<hbm>>
      %dma_wait3A_403 = tpu.memref_slice %arg8[%rem3A_372] : memref<10x!tpu.dma_semaphore, #tpu.memory_space<semaphore_mem>> -> memref<1x!tpu.dma_semaphore, #tpu.memory_space<semaphore_mem>>
      %dma_wait3A_404 = tpu.memref_squeeze %dma_wait3A_403 : memref<1x!tpu.dma_semaphore, #tpu.memory_space<semaphore_mem>> -> memref<!tpu.dma_semaphore, #tpu.memory_space<semaphore_mem>>
      %dma_wait3A_405 = arith.constant 0 : i32
      %dma_wait3A_406 = arith.constant 0 : i32
      %dma_wait3A_407 = tpu.memref_slice %arg6[%rem3A_372, %dma_wait3A_405, %dma_wait3A_406] : memref<10x8x1024xf32, #tpu.memory_space<vmem>> -> memref<1x8x1024xf32, #tpu.memory_space<vmem>>
      %dma_wait3A_408 = tpu.memref_squeeze %dma_wait3A_407 : memref<1x8x1024xf32, #tpu.memory_space<vmem>> -> memref<8x1024xf32, #tpu.memory_space<vmem>>
      %dma_wait3A_409 = arith.constant 0 : i32
      %dma_wait3A_410 = tpu.memref_slice %arg2[%select_n3A_370, %add3A_375, %dma_wait3A_409] : memref<4x4096x1024xf32, #tpu.memory_space<hbm>> -> memref<1x8x1024xf32, #tpu.memory_space<hbm>>
      %dma_wait3A_411 = tpu.memref_squeeze %dma_wait3A_410 : memref<1x8x1024xf32, #tpu.memory_space<hbm>> -> memref<8x1024xf32, #tpu.memory_space<hbm>>
      tpu.wait_dma2 semaphore(%dma_wait3A_404 : memref<!tpu.dma_semaphore, #tpu.memory_space<semaphore_mem>>) src(%dma_wait3A_411 : memref<8x1024xf32, #tpu.memory_space<hbm>>) dst(%dma_wait3A_408 : memref<8x1024xf32, #tpu.memory_space<vmem>>)
      %rem3A_412 = arith.constant 2 : i32
      %rem3A_413 = arith.remsi %select_n3A, %rem3A_412 : i32
      %parallel_loop3A = arith.constant 0 : i32
      %parallel_loop3A_414 = arith.constant 8192 : i32
      %parallel_loop3A_415 = arith.constant 16 : i32
      scf.for %parallel_loop3A_433 = %parallel_loop3A to %parallel_loop3A_414 step %parallel_loop3A_415  : i32 {
        %parallel_loop3A_434 = arith.constant 1024 : i32
        %parallel_loop3A_435 = arith.divsi %parallel_loop3A_433, %parallel_loop3A_434 : i32
        %parallel_loop3A_436 = arith.constant 0 : i32
        %parallel_loop3A_437 = arith.cmpi sgt, %parallel_loop3A_433, %parallel_loop3A_436 : i32
        %parallel_loop3A_438 = arith.extui %parallel_loop3A_437 : i1 to i32
        %parallel_loop3A_439 = arith.constant 0 : i32
        %parallel_loop3A_440 = arith.cmpi slt, %parallel_loop3A_433, %parallel_loop3A_439 : i32
        %parallel_loop3A_441 = arith.extui %parallel_loop3A_440 : i1 to i32
        %parallel_loop3A_442 = arith.subi %parallel_loop3A_438, %parallel_loop3A_441 : i32
        %parallel_loop3A_443 = arith.constant 0 : i32
        %parallel_loop3A_444 = arith.cmpi sgt, %parallel_loop3A_434, %parallel_loop3A_443 : i32
        %parallel_loop3A_445 = arith.extui %parallel_loop3A_444 : i1 to i32
        %parallel_loop3A_446 = arith.constant 0 : i32
        %parallel_loop3A_447 = arith.cmpi slt, %parallel_loop3A_434, %parallel_loop3A_446 : i32
        %parallel_loop3A_448 = arith.extui %parallel_loop3A_447 : i1 to i32
        %parallel_loop3A_449 = arith.subi %parallel_loop3A_445, %parallel_loop3A_448 : i32
        %parallel_loop3A_450 = arith.cmpi ne, %parallel_loop3A_442, %parallel_loop3A_449 : i32
        %parallel_loop3A_451 = arith.remsi %parallel_loop3A_433, %parallel_loop3A_434 : i32
        %parallel_loop3A_452 = arith.constant 0 : i32
        %parallel_loop3A_453 = arith.cmpi ne, %parallel_loop3A_451, %parallel_loop3A_452 : i32
        %parallel_loop3A_454 = arith.andi %parallel_loop3A_450, %parallel_loop3A_453 : i1
        %parallel_loop3A_455 = arith.constant 1 : i32
        %parallel_loop3A_456 = arith.subi %parallel_loop3A_435, %parallel_loop3A_455 : i32
        %parallel_loop3A_457 = arith.select %parallel_loop3A_454, %parallel_loop3A_456, %parallel_loop3A_435 : i32
        %parallel_loop3A_458 = arith.constant 1024 : i32
        %parallel_loop3A_459 = arith.remsi %parallel_loop3A_433, %parallel_loop3A_458 : i32
        %parallel_loop3A_460 = arith.index_cast %rem3A_372 : i32 to index
        %parallel_loop3A_461 = arith.index_cast %parallel_loop3A_457 : i32 to index
        %parallel_loop3A_462 = arith.index_cast %parallel_loop3A_459 : i32 to index
        %parallel_loop3A_463 = tpu.vector_load %arg6[%parallel_loop3A_460, %parallel_loop3A_461, %parallel_loop3A_462] {strides = array<i32>} : memref<10x8x1024xf32, #tpu.memory_space<vmem>>, vector<1x1x16xf32>,
        %parallel_loop3A_464 = vector.shape_cast %parallel_loop3A_463 : vector<1x1x16xf32> to vector<16xf32>
        %parallel_loop3A_465 = arith.index_cast %rem3A_413 : i32 to index
        %parallel_loop3A_466 = arith.index_cast %parallel_loop3A_457 : i32 to index
        %parallel_loop3A_467 = arith.index_cast %parallel_loop3A_459 : i32 to index
        %parallel_loop3A_468 = tpu.vector_load %arg5[%parallel_loop3A_465, %parallel_loop3A_466, %parallel_loop3A_467] {strides = array<i32>} : memref<2x8x1024xf32, #tpu.memory_space<vmem>>, vector<1x1x16xf32>,
        %parallel_loop3A_469 = vector.shape_cast %parallel_loop3A_468 : vector<1x1x16xf32> to vector<16xf32>
        %parallel_loop3A_470 = arith.addf %parallel_loop3A_464, %parallel_loop3A_469 : vector<16xf32>
        %parallel_loop3A_471 = arith.index_cast %rem3A_372 : i32 to index
        %parallel_loop3A_472 = arith.index_cast %parallel_loop3A_457 : i32 to index
        %parallel_loop3A_473 = arith.index_cast %parallel_loop3A_459 : i32 to index
        %parallel_loop3A_474 = tpu.vector_load %arg6[%parallel_loop3A_471, %parallel_loop3A_472, %parallel_loop3A_473] {strides = array<i32>} : memref<10x8x1024xf32, #tpu.memory_space<vmem>>, vector<1x1x16xf32>,
        %parallel_loop3A_475 = vector.shape_cast %parallel_loop3A_474 : vector<1x1x16xf32> to vector<16xf32>
        %parallel_loop3A_476 = vector.shape_cast %parallel_loop3A_470 : vector<16xf32> to vector<1x1x16xf32>
        tpu.vector_store %arg6[%parallel_loop3A_471, %parallel_loop3A_472, %parallel_loop3A_473], %parallel_loop3A_476 {strides = array<i32>} : memref<10x8x1024xf32, #tpu.memory_space<vmem>>, vector<1x1x16xf32>,
      } {sc.loop_unroll_factor = 16 : i64, sc.parallel_access}
      %dma_start3A_416 = arith.constant 0 : i32
      %dma_start3A_417 = arith.constant 0 : i32
      %dma_start3A_418 = tpu.memref_slice %arg6[%rem3A_372, %dma_start3A_416, %dma_start3A_417] : memref<10x8x1024xf32, #tpu.memory_space<vmem>> -> memref<1x8x1024xf32, #tpu.memory_space<vmem>>
      %dma_start3A_419 = tpu.memref_squeeze %dma_start3A_418 : memref<1x8x1024xf32, #tpu.memory_space<vmem>> -> memref<8x1024xf32, #tpu.memory_space<vmem>>
      %dma_start3A_420 = arith.constant 0 : i32
      %dma_start3A_421 = tpu.memref_slice %arg4[%select_n3A_370, %add3A_375, %dma_start3A_420] : memref<4x4096x1024xf32, #tpu.memory_space<hbm>> -> memref<1x8x1024xf32, #tpu.memory_space<hbm>>
      %dma_start3A_422 = tpu.memref_squeeze %dma_start3A_421 : memref<1x8x1024xf32, #tpu.memory_space<hbm>> -> memref<8x1024xf32, #tpu.memory_space<hbm>>
      %dma_start3A_423 = tpu.memref_slice %arg9[%rem3A_372] : memref<10x!tpu.dma_semaphore, #tpu.memory_space<semaphore_mem>> -> memref<1x!tpu.dma_semaphore, #tpu.memory_space<semaphore_mem>>
      %dma_start3A_424 = tpu.memref_squeeze %dma_start3A_423 : memref<1x!tpu.dma_semaphore, #tpu.memory_space<semaphore_mem>> -> memref<!tpu.dma_semaphore, #tpu.memory_space<semaphore_mem>>
      %dma_start3A_425 = arith.constant 0 : i32
      %dma_start3A_426 = tpu.memref_slice %arg4[%select_n3A_370, %add3A_375, %dma_start3A_425] : memref<4x4096x1024xf32, #tpu.memory_space<hbm>> -> memref<1x8x1024xf32, #tpu.memory_space<hbm>>
      %dma_start3A_427 = tpu.memref_squeeze %dma_start3A_426 : memref<1x8x1024xf32, #tpu.memory_space<hbm>> -> memref<8x1024xf32, #tpu.memory_space<hbm>>
      %dma_start3A_428 = arith.constant 0 : i32
      %dma_start3A_429 = arith.constant 0 : i32
      %dma_start3A_430 = tpu.memref_slice %arg6[%rem3A_372, %dma_start3A_428, %dma_start3A_429] : memref<10x8x1024xf32, #tpu.memory_space<vmem>> -> memref<1x8x1024xf32, #tpu.memory_space<vmem>>
      %dma_start3A_431 = tpu.memref_squeeze %dma_start3A_430 : memref<1x8x1024xf32, #tpu.memory_space<vmem>> -> memref<8x1024xf32, #tpu.memory_space<vmem>>
      tpu.enqueue_dma source(%dma_start3A_431 : memref<8x1024xf32, #tpu.memory_space<vmem>>) target(%dma_start3A_427 : memref<8x1024xf32, #tpu.memory_space<hbm>>) target_semaphore(%dma_start3A_424 : memref<!tpu.dma_semaphore, #tpu.memory_space<semaphore_mem>>)
      %scan3A_432 = arith.constant 0 : i32
      scf.yield %scan3A_432 : i32
    }
    %scan3A_149 = arith.constant 64 : i32
    %dma_wait3A = arith.constant 4 : i32
    %dma_wait3A_150 = arith.constant 0 : i32
    %dma_wait3A_151 = arith.constant 4 : i32
    %dma_wait3A_152 = arith.constant 0 : i32
    %dma_wait3A_153 = arith.constant 0 : i32
    %dma_wait3A_154 = tpu.memref_slice %arg6[%dma_wait3A, %dma_wait3A_152, %dma_wait3A_153] : memref<10x8x1024xf32, #tpu.memory_space<vmem>> -> memref<1x8x1024xf32, #tpu.memory_space<vmem>>
    %dma_wait3A_155 = tpu.memref_squeeze %dma_wait3A_154 : memref<1x8x1024xf32, #tpu.memory_space<vmem>> -> memref<8x1024xf32, #tpu.memory_space<vmem>>
    %dma_wait3A_156 = arith.constant 0 : i32
    %dma_wait3A_157 = tpu.memref_slice %arg4[%dma_wait3A_150, %mul3A_2, %dma_wait3A_156] : memref<4x4096x1024xf32, #tpu.memory_space<hbm>> -> memref<1x8x1024xf32, #tpu.memory_space<hbm>>
    %dma_wait3A_158 = tpu.memref_squeeze %dma_wait3A_157 : memref<1x8x1024xf32, #tpu.memory_space<hbm>> -> memref<8x1024xf32, #tpu.memory_space<hbm>>
    %dma_wait3A_159 = tpu.memref_slice %arg9[%dma_wait3A_151] : memref<10x!tpu.dma_semaphore, #tpu.memory_space<semaphore_mem>> -> memref<1x!tpu.dma_semaphore, #tpu.memory_space<semaphore_mem>>
    %dma_wait3A_160 = tpu.memref_squeeze %dma_wait3A_159 : memref<1x!tpu.dma_semaphore, #tpu.memory_space<semaphore_mem>> -> memref<!tpu.dma_semaphore, #tpu.memory_space<semaphore_mem>>
    %dma_wait3A_161 = arith.constant 0 : i32
    %dma_wait3A_162 = tpu.memref_slice %arg4[%dma_wait3A_150, %mul3A_2, %dma_wait3A_161] : memref<4x4096x1024xf32, #tpu.memory_space<hbm>> -> memref<1x8x1024xf32, #tpu.memory_space<hbm>>
    %dma_wait3A_163 = tpu.memref_squeeze %dma_wait3A_162 : memref<1x8x1024xf32, #tpu.memory_space<hbm>> -> memref<8x1024xf32, #tpu.memory_space<hbm>>
    %dma_wait3A_164 = arith.constant 0 : i32
    %dma_wait3A_165 = arith.constant 0 : i32
    %dma_wait3A_166 = tpu.memref_slice %arg6[%dma_wait3A, %dma_wait3A_164, %dma_wait3A_165] : memref<10x8x1024xf32, #tpu.memory_space<vmem>> -> memref<1x8x1024xf32, #tpu.memory_space<vmem>>
    %dma_wait3A_167 = tpu.memref_squeeze %dma_wait3A_166 : memref<1x8x1024xf32, #tpu.memory_space<vmem>> -> memref<8x1024xf32, #tpu.memory_space<vmem>>
    tpu.wait_dma2 semaphore(%dma_wait3A_160 : memref<!tpu.dma_semaphore, #tpu.memory_space<semaphore_mem>>) src(%dma_wait3A_167 : memref<8x1024xf32, #tpu.memory_space<vmem>>) dst(%dma_wait3A_163 : memref<8x1024xf32, #tpu.memory_space<hbm>>)
    %dma_wait3A_168 = arith.constant 5 : i32
    %dma_wait3A_169 = arith.constant 0 : i32
    %dma_wait3A_170 = arith.constant 5 : i32
    %dma_wait3A_171 = arith.constant 0 : i32
    %dma_wait3A_172 = arith.constant 0 : i32
    %dma_wait3A_173 = tpu.memref_slice %arg6[%dma_wait3A_168, %dma_wait3A_171, %dma_wait3A_172] : memref<10x8x1024xf32, #tpu.memory_space<vmem>> -> memref<1x8x1024xf32, #tpu.memory_space<vmem>>
    %dma_wait3A_174 = tpu.memref_squeeze %dma_wait3A_173 : memref<1x8x1024xf32, #tpu.memory_space<vmem>> -> memref<8x1024xf32, #tpu.memory_space<vmem>>
    %dma_wait3A_175 = arith.constant 0 : i32
    %dma_wait3A_176 = tpu.memref_slice %arg4[%dma_wait3A_169, %mul3A_2, %dma_wait3A_175] : memref<4x4096x1024xf32, #tpu.memory_space<hbm>> -> memref<1x8x1024xf32, #tpu.memory_space<hbm>>
    %dma_wait3A_177 = tpu.memref_squeeze %dma_wait3A_176 : memref<1x8x1024xf32, #tpu.memory_space<hbm>> -> memref<8x1024xf32, #tpu.memory_space<hbm>>
    %dma_wait3A_178 = tpu.memref_slice %arg9[%dma_wait3A_170] : memref<10x!tpu.dma_semaphore, #tpu.memory_space<semaphore_mem>> -> memref<1x!tpu.dma_semaphore, #tpu.memory_space<semaphore_mem>>
    %dma_wait3A_179 = tpu.memref_squeeze %dma_wait3A_178 : memref<1x!tpu.dma_semaphore, #tpu.memory_space<semaphore_mem>> -> memref<!tpu.dma_semaphore, #tpu.memory_space<semaphore_mem>>
    %dma_wait3A_180 = arith.constant 0 : i32
    %dma_wait3A_181 = tpu.memref_slice %arg4[%dma_wait3A_169, %mul3A_2, %dma_wait3A_180] : memref<4x4096x1024xf32, #tpu.memory_space<hbm>> -> memref<1x8x1024xf32, #tpu.memory_space<hbm>>
    %dma_wait3A_182 = tpu.memref_squeeze %dma_wait3A_181 : memref<1x8x1024xf32, #tpu.memory_space<hbm>> -> memref<8x1024xf32, #tpu.memory_space<hbm>>
    %dma_wait3A_183 = arith.constant 0 : i32
    %dma_wait3A_184 = arith.constant 0 : i32
    %dma_wait3A_185 = tpu.memref_slice %arg6[%dma_wait3A_168, %dma_wait3A_183, %dma_wait3A_184] : memref<10x8x1024xf32, #tpu.memory_space<vmem>> -> memref<1x8x1024xf32, #tpu.memory_space<vmem>>
    %dma_wait3A_186 = tpu.memref_squeeze %dma_wait3A_185 : memref<1x8x1024xf32, #tpu.memory_space<vmem>> -> memref<8x1024xf32, #tpu.memory_space<vmem>>
    tpu.wait_dma2 semaphore(%dma_wait3A_179 : memref<!tpu.dma_semaphore, #tpu.memory_space<semaphore_mem>>) src(%dma_wait3A_186 : memref<8x1024xf32, #tpu.memory_space<vmem>>) dst(%dma_wait3A_182 : memref<8x1024xf32, #tpu.memory_space<hbm>>)
    %dma_wait3A_187 = arith.constant 6 : i32
    %dma_wait3A_188 = arith.constant 0 : i32
    %dma_wait3A_189 = arith.constant 6 : i32
    %dma_wait3A_190 = arith.constant 0 : i32
    %dma_wait3A_191 = arith.constant 0 : i32
    %dma_wait3A_192 = tpu.memref_slice %arg6[%dma_wait3A_187, %dma_wait3A_190, %dma_wait3A_191] : memref<10x8x1024xf32, #tpu.memory_space<vmem>> -> memref<1x8x1024xf32, #tpu.memory_space<vmem>>
    %dma_wait3A_193 = tpu.memref_squeeze %dma_wait3A_192 : memref<1x8x1024xf32, #tpu.memory_space<vmem>> -> memref<8x1024xf32, #tpu.memory_space<vmem>>
    %dma_wait3A_194 = arith.constant 0 : i32
    %dma_wait3A_195 = tpu.memref_slice %arg4[%dma_wait3A_188, %mul3A_2, %dma_wait3A_194] : memref<4x4096x1024xf32, #tpu.memory_space<hbm>> -> memref<1x8x1024xf32, #tpu.memory_space<hbm>>
    %dma_wait3A_196 = tpu.memref_squeeze %dma_wait3A_195 : memref<1x8x1024xf32, #tpu.memory_space<hbm>> -> memref<8x1024xf32, #tpu.memory_space<hbm>>
    %dma_wait3A_197 = tpu.memref_slice %arg9[%dma_wait3A_189] : memref<10x!tpu.dma_semaphore, #tpu.memory_space<semaphore_mem>> -> memref<1x!tpu.dma_semaphore, #tpu.memory_space<semaphore_mem>>
    %dma_wait3A_198 = tpu.memref_squeeze %dma_wait3A_197 : memref<1x!tpu.dma_semaphore, #tpu.memory_space<semaphore_mem>> -> memref<!tpu.dma_semaphore, #tpu.memory_space<semaphore_mem>>
    %dma_wait3A_199 = arith.constant 0 : i32
    %dma_wait3A_200 = tpu.memref_slice %arg4[%dma_wait3A_188, %mul3A_2, %dma_wait3A_199] : memref<4x4096x1024xf32, #tpu.memory_space<hbm>> -> memref<1x8x1024xf32, #tpu.memory_space<hbm>>
    %dma_wait3A_201 = tpu.memref_squeeze %dma_wait3A_200 : memref<1x8x1024xf32, #tpu.memory_space<hbm>> -> memref<8x1024xf32, #tpu.memory_space<hbm>>
    %dma_wait3A_202 = arith.constant 0 : i32
    %dma_wait3A_203 = arith.constant 0 : i32
    %dma_wait3A_204 = tpu.memref_slice %arg6[%dma_wait3A_187, %dma_wait3A_202, %dma_wait3A_203] : memref<10x8x1024xf32, #tpu.memory_space<vmem>> -> memref<1x8x1024xf32, #tpu.memory_space<vmem>>
    %dma_wait3A_205 = tpu.memref_squeeze %dma_wait3A_204 : memref<1x8x1024xf32, #tpu.memory_space<vmem>> -> memref<8x1024xf32, #tpu.memory_space<vmem>>
    tpu.wait_dma2 semaphore(%dma_wait3A_198 : memref<!tpu.dma_semaphore, #tpu.memory_space<semaphore_mem>>) src(%dma_wait3A_205 : memref<8x1024xf32, #tpu.memory_space<vmem>>) dst(%dma_wait3A_201 : memref<8x1024xf32, #tpu.memory_space<hbm>>)
    %dma_wait3A_206 = arith.constant 7 : i32
    %dma_wait3A_207 = arith.constant 0 : i32
    %dma_wait3A_208 = arith.constant 7 : i32
    %dma_wait3A_209 = arith.constant 0 : i32
    %dma_wait3A_210 = arith.constant 0 : i32
    %dma_wait3A_211 = tpu.memref_slice %arg6[%dma_wait3A_206, %dma_wait3A_209, %dma_wait3A_210] : memref<10x8x1024xf32, #tpu.memory_space<vmem>> -> memref<1x8x1024xf32, #tpu.memory_space<vmem>>
    %dma_wait3A_212 = tpu.memref_squeeze %dma_wait3A_211 : memref<1x8x1024xf32, #tpu.memory_space<vmem>> -> memref<8x1024xf32, #tpu.memory_space<vmem>>
    %dma_wait3A_213 = arith.constant 0 : i32
    %dma_wait3A_214 = tpu.memref_slice %arg4[%dma_wait3A_207, %mul3A_2, %dma_wait3A_213] : memref<4x4096x1024xf32, #tpu.memory_space<hbm>> -> memref<1x8x1024xf32, #tpu.memory_space<hbm>>
    %dma_wait3A_215 = tpu.memref_squeeze %dma_wait3A_214 : memref<1x8x1024xf32, #tpu.memory_space<hbm>> -> memref<8x1024xf32, #tpu.memory_space<hbm>>
    %dma_wait3A_216 = tpu.memref_slice %arg9[%dma_wait3A_208] : memref<10x!tpu.dma_semaphore, #tpu.memory_space<semaphore_mem>> -> memref<1x!tpu.dma_semaphore, #tpu.memory_space<semaphore_mem>>
    %dma_wait3A_217 = tpu.memref_squeeze %dma_wait3A_216 : memref<1x!tpu.dma_semaphore, #tpu.memory_space<semaphore_mem>> -> memref<!tpu.dma_semaphore, #tpu.memory_space<semaphore_mem>>
    %dma_wait3A_218 = arith.constant 0 : i32
    %dma_wait3A_219 = tpu.memref_slice %arg4[%dma_wait3A_207, %mul3A_2, %dma_wait3A_218] : memref<4x4096x1024xf32, #tpu.memory_space<hbm>> -> memref<1x8x1024xf32, #tpu.memory_space<hbm>>
    %dma_wait3A_220 = tpu.memref_squeeze %dma_wait3A_219 : memref<1x8x1024xf32, #tpu.memory_space<hbm>> -> memref<8x1024xf32, #tpu.memory_space<hbm>>
    %dma_wait3A_221 = arith.constant 0 : i32
    %dma_wait3A_222 = arith.constant 0 : i32
    %dma_wait3A_223 = tpu.memref_slice %arg6[%dma_wait3A_206, %dma_wait3A_221, %dma_wait3A_222] : memref<10x8x1024xf32, #tpu.memory_space<vmem>> -> memref<1x8x1024xf32, #tpu.memory_space<vmem>>
    %dma_wait3A_224 = tpu.memref_squeeze %dma_wait3A_223 : memref<1x8x1024xf32, #tpu.memory_space<vmem>> -> memref<8x1024xf32, #tpu.memory_space<vmem>>
    tpu.wait_dma2 semaphore(%dma_wait3A_217 : memref<!tpu.dma_semaphore, #tpu.memory_space<semaphore_mem>>) src(%dma_wait3A_224 : memref<8x1024xf32, #tpu.memory_space<vmem>>) dst(%dma_wait3A_220 : memref<8x1024xf32, #tpu.memory_space<hbm>>)
    %dma_wait3A_225 = arith.constant 8 : i32
    %dma_wait3A_226 = arith.constant 0 : i32
    %dma_wait3A_227 = arith.constant 8 : i32
    %dma_wait3A_228 = arith.constant 0 : i32
    %dma_wait3A_229 = arith.constant 0 : i32
    %dma_wait3A_230 = tpu.memref_slice %arg6[%dma_wait3A_225, %dma_wait3A_228, %dma_wait3A_229] : memref<10x8x1024xf32, #tpu.memory_space<vmem>> -> memref<1x8x1024xf32, #tpu.memory_space<vmem>>
    %dma_wait3A_231 = tpu.memref_squeeze %dma_wait3A_230 : memref<1x8x1024xf32, #tpu.memory_space<vmem>> -> memref<8x1024xf32, #tpu.memory_space<vmem>>
    %dma_wait3A_232 = arith.constant 0 : i32
    %dma_wait3A_233 = tpu.memref_slice %arg4[%dma_wait3A_226, %mul3A_2, %dma_wait3A_232] : memref<4x4096x1024xf32, #tpu.memory_space<hbm>> -> memref<1x8x1024xf32, #tpu.memory_space<hbm>>
    %dma_wait3A_234 = tpu.memref_squeeze %dma_wait3A_233 : memref<1x8x1024xf32, #tpu.memory_space<hbm>> -> memref<8x1024xf32, #tpu.memory_space<hbm>>
    %dma_wait3A_235 = tpu.memref_slice %arg9[%dma_wait3A_227] : memref<10x!tpu.dma_semaphore, #tpu.memory_space<semaphore_mem>> -> memref<1x!tpu.dma_semaphore, #tpu.memory_space<semaphore_mem>>
    %dma_wait3A_236 = tpu.memref_squeeze %dma_wait3A_235 : memref<1x!tpu.dma_semaphore, #tpu.memory_space<semaphore_mem>> -> memref<!tpu.dma_semaphore, #tpu.memory_space<semaphore_mem>>
    %dma_wait3A_237 = arith.constant 0 : i32
    %dma_wait3A_238 = tpu.memref_slice %arg4[%dma_wait3A_226, %mul3A_2, %dma_wait3A_237] : memref<4x4096x1024xf32, #tpu.memory_space<hbm>> -> memref<1x8x1024xf32, #tpu.memory_space<hbm>>
    %dma_wait3A_239 = tpu.memref_squeeze %dma_wait3A_238 : memref<1x8x1024xf32, #tpu.memory_space<hbm>> -> memref<8x1024xf32, #tpu.memory_space<hbm>>
    %dma_wait3A_240 = arith.constant 0 : i32
    %dma_wait3A_241 = arith.constant 0 : i32
    %dma_wait3A_242 = tpu.memref_slice %arg6[%dma_wait3A_225, %dma_wait3A_240, %dma_wait3A_241] : memref<10x8x1024xf32, #tpu.memory_space<vmem>> -> memref<1x8x1024xf32, #tpu.memory_space<vmem>>
    %dma_wait3A_243 = tpu.memref_squeeze %dma_wait3A_242 : memref<1x8x1024xf32, #tpu.memory_space<vmem>> -> memref<8x1024xf32, #tpu.memory_space<vmem>>
    tpu.wait_dma2 semaphore(%dma_wait3A_236 : memref<!tpu.dma_semaphore, #tpu.memory_space<semaphore_mem>>) src(%dma_wait3A_243 : memref<8x1024xf32, #tpu.memory_space<vmem>>) dst(%dma_wait3A_239 : memref<8x1024xf32, #tpu.memory_space<hbm>>)
    %dma_wait3A_244 = arith.constant 9 : i32
    %dma_wait3A_245 = arith.constant 0 : i32
    %dma_wait3A_246 = arith.constant 9 : i32
    %dma_wait3A_247 = arith.constant 0 : i32
    %dma_wait3A_248 = arith.constant 0 : i32
    %dma_wait3A_249 = tpu.memref_slice %arg6[%dma_wait3A_244, %dma_wait3A_247, %dma_wait3A_248] : memref<10x8x1024xf32, #tpu.memory_space<vmem>> -> memref<1x8x1024xf32, #tpu.memory_space<vmem>>
    %dma_wait3A_250 = tpu.memref_squeeze %dma_wait3A_249 : memref<1x8x1024xf32, #tpu.memory_space<vmem>> -> memref<8x1024xf32, #tpu.memory_space<vmem>>
    %dma_wait3A_251 = arith.constant 0 : i32
    %dma_wait3A_252 = tpu.memref_slice %arg4[%dma_wait3A_245, %mul3A_2, %dma_wait3A_251] : memref<4x4096x1024xf32, #tpu.memory_space<hbm>> -> memref<1x8x1024xf32, #tpu.memory_space<hbm>>
    %dma_wait3A_253 = tpu.memref_squeeze %dma_wait3A_252 : memref<1x8x1024xf32, #tpu.memory_space<hbm>> -> memref<8x1024xf32, #tpu.memory_space<hbm>>
    %dma_wait3A_254 = tpu.memref_slice %arg9[%dma_wait3A_246] : memref<10x!tpu.dma_semaphore, #tpu.memory_space<semaphore_mem>> -> memref<1x!tpu.dma_semaphore, #tpu.memory_space<semaphore_mem>>
    %dma_wait3A_255 = tpu.memref_squeeze %dma_wait3A_254 : memref<1x!tpu.dma_semaphore, #tpu.memory_space<semaphore_mem>> -> memref<!tpu.dma_semaphore, #tpu.memory_space<semaphore_mem>>
    %dma_wait3A_256 = arith.constant 0 : i32
    %dma_wait3A_257 = tpu.memref_slice %arg4[%dma_wait3A_245, %mul3A_2, %dma_wait3A_256] : memref<4x4096x1024xf32, #tpu.memory_space<hbm>> -> memref<1x8x1024xf32, #tpu.memory_space<hbm>>
    %dma_wait3A_258 = tpu.memref_squeeze %dma_wait3A_257 : memref<1x8x1024xf32, #tpu.memory_space<hbm>> -> memref<8x1024xf32, #tpu.memory_space<hbm>>
    %dma_wait3A_259 = arith.constant 0 : i32
    %dma_wait3A_260 = arith.constant 0 : i32
    %dma_wait3A_261 = tpu.memref_slice %arg6[%dma_wait3A_244, %dma_wait3A_259, %dma_wait3A_260] : memref<10x8x1024xf32, #tpu.memory_space<vmem>> -> memref<1x8x1024xf32, #tpu.memory_space<vmem>>
    %dma_wait3A_262 = tpu.memref_squeeze %dma_wait3A_261 : memref<1x8x1024xf32, #tpu.memory_space<vmem>> -> memref<8x1024xf32, #tpu.memory_space<vmem>>
    tpu.wait_dma2 semaphore(%dma_wait3A_255 : memref<!tpu.dma_semaphore, #tpu.memory_space<semaphore_mem>>) src(%dma_wait3A_262 : memref<8x1024xf32, #tpu.memory_space<vmem>>) dst(%dma_wait3A_258 : memref<8x1024xf32, #tpu.memory_space<hbm>>)
    %dma_wait3A_263 = arith.constant 0 : i32
    %dma_wait3A_264 = arith.constant 0 : i32
    %dma_wait3A_265 = arith.constant 0 : i32
    %dma_wait3A_266 = arith.constant 0 : i32
    %dma_wait3A_267 = arith.constant 0 : i32
    %dma_wait3A_268 = tpu.memref_slice %arg6[%dma_wait3A_263, %dma_wait3A_266, %dma_wait3A_267] : memref<10x8x1024xf32, #tpu.memory_space<vmem>> -> memref<1x8x1024xf32, #tpu.memory_space<vmem>>
    %dma_wait3A_269 = tpu.memref_squeeze %dma_wait3A_268 : memref<1x8x1024xf32, #tpu.memory_space<vmem>> -> memref<8x1024xf32, #tpu.memory_space<vmem>>
    %dma_wait3A_270 = arith.constant 0 : i32
    %dma_wait3A_271 = tpu.memref_slice %arg4[%dma_wait3A_264, %mul3A_2, %dma_wait3A_270] : memref<4x4096x1024xf32, #tpu.memory_space<hbm>> -> memref<1x8x1024xf32, #tpu.memory_space<hbm>>
    %dma_wait3A_272 = tpu.memref_squeeze %dma_wait3A_271 : memref<1x8x1024xf32, #tpu.memory_space<hbm>> -> memref<8x1024xf32, #tpu.memory_space<hbm>>
    %dma_wait3A_273 = tpu.memref_slice %arg9[%dma_wait3A_265] : memref<10x!tpu.dma_semaphore, #tpu.memory_space<semaphore_mem>> -> memref<1x!tpu.dma_semaphore, #tpu.memory_space<semaphore_mem>>
    %dma_wait3A_274 = tpu.memref_squeeze %dma_wait3A_273 : memref<1x!tpu.dma_semaphore, #tpu.memory_space<semaphore_mem>> -> memref<!tpu.dma_semaphore, #tpu.memory_space<semaphore_mem>>
    %dma_wait3A_275 = arith.constant 0 : i32
    %dma_wait3A_276 = tpu.memref_slice %arg4[%dma_wait3A_264, %mul3A_2, %dma_wait3A_275] : memref<4x4096x1024xf32, #tpu.memory_space<hbm>> -> memref<1x8x1024xf32, #tpu.memory_space<hbm>>
    %dma_wait3A_277 = tpu.memref_squeeze %dma_wait3A_276 : memref<1x8x1024xf32, #tpu.memory_space<hbm>> -> memref<8x1024xf32, #tpu.memory_space<hbm>>
    %dma_wait3A_278 = arith.constant 0 : i32
    %dma_wait3A_279 = arith.constant 0 : i32
    %dma_wait3A_280 = tpu.memref_slice %arg6[%dma_wait3A_263, %dma_wait3A_278, %dma_wait3A_279] : memref<10x8x1024xf32, #tpu.memory_space<vmem>> -> memref<1x8x1024xf32, #tpu.memory_space<vmem>>
    %dma_wait3A_281 = tpu.memref_squeeze %dma_wait3A_280 : memref<1x8x1024xf32, #tpu.memory_space<vmem>> -> memref<8x1024xf32, #tpu.memory_space<vmem>>
    tpu.wait_dma2 semaphore(%dma_wait3A_274 : memref<!tpu.dma_semaphore, #tpu.memory_space<semaphore_mem>>) src(%dma_wait3A_281 : memref<8x1024xf32, #tpu.memory_space<vmem>>) dst(%dma_wait3A_277 : memref<8x1024xf32, #tpu.memory_space<hbm>>)
    %dma_wait3A_282 = arith.constant 1 : i32
    %dma_wait3A_283 = arith.constant 0 : i32
    %dma_wait3A_284 = arith.constant 1 : i32
    %dma_wait3A_285 = arith.constant 0 : i32
    %dma_wait3A_286 = arith.constant 0 : i32
    %dma_wait3A_287 = tpu.memref_slice %arg6[%dma_wait3A_282, %dma_wait3A_285, %dma_wait3A_286] : memref<10x8x1024xf32, #tpu.memory_space<vmem>> -> memref<1x8x1024xf32, #tpu.memory_space<vmem>>
    %dma_wait3A_288 = tpu.memref_squeeze %dma_wait3A_287 : memref<1x8x1024xf32, #tpu.memory_space<vmem>> -> memref<8x1024xf32, #tpu.memory_space<vmem>>
    %dma_wait3A_289 = arith.constant 0 : i32
    %dma_wait3A_290 = tpu.memref_slice %arg4[%dma_wait3A_283, %mul3A_2, %dma_wait3A_289] : memref<4x4096x1024xf32, #tpu.memory_space<hbm>> -> memref<1x8x1024xf32, #tpu.memory_space<hbm>>
    %dma_wait3A_291 = tpu.memref_squeeze %dma_wait3A_290 : memref<1x8x1024xf32, #tpu.memory_space<hbm>> -> memref<8x1024xf32, #tpu.memory_space<hbm>>
    %dma_wait3A_292 = tpu.memref_slice %arg9[%dma_wait3A_284] : memref<10x!tpu.dma_semaphore, #tpu.memory_space<semaphore_mem>> -> memref<1x!tpu.dma_semaphore, #tpu.memory_space<semaphore_mem>>
    %dma_wait3A_293 = tpu.memref_squeeze %dma_wait3A_292 : memref<1x!tpu.dma_semaphore, #tpu.memory_space<semaphore_mem>> -> memref<!tpu.dma_semaphore, #tpu.memory_space<semaphore_mem>>
    %dma_wait3A_294 = arith.constant 0 : i32
    %dma_wait3A_295 = tpu.memref_slice %arg4[%dma_wait3A_283, %mul3A_2, %dma_wait3A_294] : memref<4x4096x1024xf32, #tpu.memory_space<hbm>> -> memref<1x8x1024xf32, #tpu.memory_space<hbm>>
    %dma_wait3A_296 = tpu.memref_squeeze %dma_wait3A_295 : memref<1x8x1024xf32, #tpu.memory_space<hbm>> -> memref<8x1024xf32, #tpu.memory_space<hbm>>
    %dma_wait3A_297 = arith.constant 0 : i32
    %dma_wait3A_298 = arith.constant 0 : i32
    %dma_wait3A_299 = tpu.memref_slice %arg6[%dma_wait3A_282, %dma_wait3A_297, %dma_wait3A_298] : memref<10x8x1024xf32, #tpu.memory_space<vmem>> -> memref<1x8x1024xf32, #tpu.memory_space<vmem>>
    %dma_wait3A_300 = tpu.memref_squeeze %dma_wait3A_299 : memref<1x8x1024xf32, #tpu.memory_space<vmem>> -> memref<8x1024xf32, #tpu.memory_space<vmem>>
    tpu.wait_dma2 semaphore(%dma_wait3A_293 : memref<!tpu.dma_semaphore, #tpu.memory_space<semaphore_mem>>) src(%dma_wait3A_300 : memref<8x1024xf32, #tpu.memory_space<vmem>>) dst(%dma_wait3A_296 : memref<8x1024xf32, #tpu.memory_space<hbm>>)
    %dma_wait3A_301 = arith.constant 2 : i32
    %dma_wait3A_302 = arith.constant 0 : i32
    %dma_wait3A_303 = arith.constant 2 : i32
    %dma_wait3A_304 = arith.constant 0 : i32
    %dma_wait3A_305 = arith.constant 0 : i32
    %dma_wait3A_306 = tpu.memref_slice %arg6[%dma_wait3A_301, %dma_wait3A_304, %dma_wait3A_305] : memref<10x8x1024xf32, #tpu.memory_space<vmem>> -> memref<1x8x1024xf32, #tpu.memory_space<vmem>>
    %dma_wait3A_307 = tpu.memref_squeeze %dma_wait3A_306 : memref<1x8x1024xf32, #tpu.memory_space<vmem>> -> memref<8x1024xf32, #tpu.memory_space<vmem>>
    %dma_wait3A_308 = arith.constant 0 : i32
    %dma_wait3A_309 = tpu.memref_slice %arg4[%dma_wait3A_302, %mul3A_2, %dma_wait3A_308] : memref<4x4096x1024xf32, #tpu.memory_space<hbm>> -> memref<1x8x1024xf32, #tpu.memory_space<hbm>>
    %dma_wait3A_310 = tpu.memref_squeeze %dma_wait3A_309 : memref<1x8x1024xf32, #tpu.memory_space<hbm>> -> memref<8x1024xf32, #tpu.memory_space<hbm>>
    %dma_wait3A_311 = tpu.memref_slice %arg9[%dma_wait3A_303] : memref<10x!tpu.dma_semaphore, #tpu.memory_space<semaphore_mem>> -> memref<1x!tpu.dma_semaphore, #tpu.memory_space<semaphore_mem>>
    %dma_wait3A_312 = tpu.memref_squeeze %dma_wait3A_311 : memref<1x!tpu.dma_semaphore, #tpu.memory_space<semaphore_mem>> -> memref<!tpu.dma_semaphore, #tpu.memory_space<semaphore_mem>>
    %dma_wait3A_313 = arith.constant 0 : i32
    %dma_wait3A_314 = tpu.memref_slice %arg4[%dma_wait3A_302, %mul3A_2, %dma_wait3A_313] : memref<4x4096x1024xf32, #tpu.memory_space<hbm>> -> memref<1x8x1024xf32, #tpu.memory_space<hbm>>
    %dma_wait3A_315 = tpu.memref_squeeze %dma_wait3A_314 : memref<1x8x1024xf32, #tpu.memory_space<hbm>> -> memref<8x1024xf32, #tpu.memory_space<hbm>>
    %dma_wait3A_316 = arith.constant 0 : i32
    %dma_wait3A_317 = arith.constant 0 : i32
    %dma_wait3A_318 = tpu.memref_slice %arg6[%dma_wait3A_301, %dma_wait3A_316, %dma_wait3A_317] : memref<10x8x1024xf32, #tpu.memory_space<vmem>> -> memref<1x8x1024xf32, #tpu.memory_space<vmem>>
    %dma_wait3A_319 = tpu.memref_squeeze %dma_wait3A_318 : memref<1x8x1024xf32, #tpu.memory_space<vmem>> -> memref<8x1024xf32, #tpu.memory_space<vmem>>
    tpu.wait_dma2 semaphore(%dma_wait3A_312 : memref<!tpu.dma_semaphore, #tpu.memory_space<semaphore_mem>>) src(%dma_wait3A_319 : memref<8x1024xf32, #tpu.memory_space<vmem>>) dst(%dma_wait3A_315 : memref<8x1024xf32, #tpu.memory_space<hbm>>)
    %dma_wait3A_320 = arith.constant 3 : i32
    %dma_wait3A_321 = arith.constant 0 : i32
    %dma_wait3A_322 = arith.constant 3 : i32
    %dma_wait3A_323 = arith.constant 0 : i32
    %dma_wait3A_324 = arith.constant 0 : i32
    %dma_wait3A_325 = tpu.memref_slice %arg6[%dma_wait3A_320, %dma_wait3A_323, %dma_wait3A_324] : memref<10x8x1024xf32, #tpu.memory_space<vmem>> -> memref<1x8x1024xf32, #tpu.memory_space<vmem>>
    %dma_wait3A_326 = tpu.memref_squeeze %dma_wait3A_325 : memref<1x8x1024xf32, #tpu.memory_space<vmem>> -> memref<8x1024xf32, #tpu.memory_space<vmem>>
    %dma_wait3A_327 = arith.constant 0 : i32
    %dma_wait3A_328 = tpu.memref_slice %arg4[%dma_wait3A_321, %mul3A_2, %dma_wait3A_327] : memref<4x4096x1024xf32, #tpu.memory_space<hbm>> -> memref<1x8x1024xf32, #tpu.memory_space<hbm>>
    %dma_wait3A_329 = tpu.memref_squeeze %dma_wait3A_328 : memref<1x8x1024xf32, #tpu.memory_space<hbm>> -> memref<8x1024xf32, #tpu.memory_space<hbm>>
    %dma_wait3A_330 = tpu.memref_slice %arg9[%dma_wait3A_322] : memref<10x!tpu.dma_semaphore, #tpu.memory_space<semaphore_mem>> -> memref<1x!tpu.dma_semaphore, #tpu.memory_space<semaphore_mem>>
    %dma_wait3A_331 = tpu.memref_squeeze %dma_wait3A_330 : memref<1x!tpu.dma_semaphore, #tpu.memory_space<semaphore_mem>> -> memref<!tpu.dma_semaphore, #tpu.memory_space<semaphore_mem>>
    %dma_wait3A_332 = arith.constant 0 : i32
    %dma_wait3A_333 = tpu.memref_slice %arg4[%dma_wait3A_321, %mul3A_2, %dma_wait3A_332] : memref<4x4096x1024xf32, #tpu.memory_space<hbm>> -> memref<1x8x1024xf32, #tpu.memory_space<hbm>>
    %dma_wait3A_334 = tpu.memref_squeeze %dma_wait3A_333 : memref<1x8x1024xf32, #tpu.memory_space<hbm>> -> memref<8x1024xf32, #tpu.memory_space<hbm>>
    %dma_wait3A_335 = arith.constant 0 : i32
    %dma_wait3A_336 = arith.constant 0 : i32
    %dma_wait3A_337 = tpu.memref_slice %arg6[%dma_wait3A_320, %dma_wait3A_335, %dma_wait3A_336] : memref<10x8x1024xf32, #tpu.memory_space<vmem>> -> memref<1x8x1024xf32, #tpu.memory_space<vmem>>
    %dma_wait3A_338 = tpu.memref_squeeze %dma_wait3A_337 : memref<1x8x1024xf32, #tpu.memory_space<vmem>> -> memref<8x1024xf32, #tpu.memory_space<vmem>>
    tpu.wait_dma2 semaphore(%dma_wait3A_331 : memref<!tpu.dma_semaphore, #tpu.memory_space<semaphore_mem>>) src(%dma_wait3A_338 : memref<8x1024xf32, #tpu.memory_space<vmem>>) dst(%dma_wait3A_334 : memref<8x1024xf32, #tpu.memory_space<hbm>>)
    return
  }
}

</mosaic_0001>

<sc_bundles>
// kernel: _sc_add.3.cloned.1.call-start
scs
__scs_entry_jumppad:
0x0: {  	(pc) =	sbr.rel $0x88, $3  }
0x1: {  	(tag) =	ssettag $0x0;
	lr =	simm.s32 $0x1  }
0x2: {  	[smem:$0x3F9F] =	sst lr;
	_ =	strace $0xD0000000  }
0x3: {  	_ = 	snop  }
0x4: {  	_ = 	snop  }
0x5: {  	_ = 	snop  }
0x6: {  	_ = 	snop  }
0x7: {  	_ = 	snop  }
__scs_overlays_trampoline_lowered:
0x8: {  	[smem:$0x3FAE] =	sst s0  }
0x9: {  	[smem:$0x3FAF] =	sst s1  }
0xa: {  	[smem:$0x3FB0] =	sst s2  }
0xb: {  	[smem:$0x3FB1] =	sst s3  }
0xc: {  	[smem:$0x3FB2] =	sst s4  }
0xd: {  	[smem:$0x3FB3] =	sst s5  }
0xe: {  	[smem:$0x3FB4] =	sst s6  }
0xf: {  	[smem:$0x3FB5] =	sst s7  }
0x10: {  	[smem:$0x3FB6] =	sst s8  }
0x11: {  	[smem:$0x3FB7] =	sst s9;
	s0 =	simm.s32 @!p0 $0x0  }
0x12: {  	s1 =	sld [smem:$0x3F9D];
	s0 =	simm.s32 @p0 $0x1  }
0x13: {  	[smem:$0x3FB8] =	sst s0;
	s0 =	simm.s32 @!p1 $0x0  }
0x14: {  	s2 =	sld [smem:$0x3F9C];
	s0 =	simm.s32 @p1 $0x1  }
0x15: {  	[smem:$0x3FB9] =	sst s0;
	s0 =	simm.s32 @!p2 $0x0  }
0x16: {  	s3 =	sld [smem:$0x3FDB];
	s0 =	simm.s32 @p2 $0x1  }
0x17: {  	s4 =	simm.s32 $0x1BF5;
	[smem:$0x3FBB] =	sst s0  }
0x18: {  	s0 =	sld [smem:$0x3F9E];
	_ =	swait.ge [sflag:s4], $0x0  }
0x19: {  	s7 =	sld [smem:$0x3F9F]  }
0x1a: {  	s8 =	sadd.s32 $0xFFFFE003, lr  }
0x1b: {  	s9 =	sadd.s32 $0xFFFFFEF7, lr;
	s5 =	simm.s32 $0xFFFFFFFF;
	p2 =	slt.u32 s8, $0xFFFFF086  }
0x1c: {  	p1 =	slt.u32 s9, $0xF7A;
	s5 =	simm.s32 @!p2 $0x0  }
0x1d: {  	s5 =	simm.s32 @p1 $0x1;
	p0 =	seq.s32 s7, s2  }
0x1e: {  	s7 =	smul.u32 @!p0 $0xF7A, s2;
	p2 =	seq.s32 @!p0 s5, $0x0  }
0x1f: {  	s9 =	smul.u32 $0xF7A, s1;
	s8 =	simm.s32 @!p0 $0x1BF5;
	p2 =	por !p2, p0  }
0x20: {  	[sflag:s8] =	ssyncset.s32 @!p0 $0xFFFFF086;
	s6 =	sadd.s32 @!p0 s3, s7;
	s7 =	simm.s32 @!p0 $0x108  }
0x21: {  	s3 =	sadd.s32 s3, s9;
	s6 =	sadd.s32 @!p0 $0x88, s6;
	s7 =	simm.s32 @p2 $0x1082  }
0x22: {  	[simem:s7], [sflag:s8] =	dma.local @!p0 [hbm:s6], $0xF7A  }
0x23: {  	s9 =	sor.u32 $0xD0000000, s2;
	s6 =	simm.s32 $0x108;
	_ =	swait.ge @!p0 [sflag:s8], $0x0  }
0x24: {  	s3 =	sadd.s32 $0x88, s3;
	s6 =	simm.s32 @!p1 $0x1082;
	[sflag:s4] =	ssyncset.s32 $0xFFFFF086  }
0x25: {  	[simem:s6], [sflag:s4] =	dma.local [hbm:s3], $0xF7A  }
0x26: {  	[smem:$0x3F9F] =	sst s1;
	(tag) =	ssettag s2;
	_ =	strace s9  }
0x27: {  	s1 =	sld [smem:$0x3FAF]  }
0x28: {  	s2 =	sld [smem:$0x3FB0]  }
0x29: {  	s4 =	sld [smem:$0x3FB2]  }
0x2a: {  	p0 =	seq.s32 s5, $0x0;
	s5 =	sld [smem:$0x3FB3]  }
0x2b: {  	s6 =	sld [smem:$0x3FB4]  }
0x2c: {  	s7 =	sld [smem:$0x3FB5]  }
0x2d: {  	s3 =	simm.s32 $0x108;
	s8 =	sld [smem:$0x3FB6]  }
0x2e: {  	s3 =	simm.s32 @!p0 $0x1082;
	s9 =	sld [smem:$0x3FB7]  }
0x2f: {  	lr =	sadd.s32 s0, s3;
	s0 =	sld [smem:$0x3FAE]  }
0x30: {  	s3 =	sld [smem:$0x3FB1]  }
0x31: {  	[smem:$0x3FBA] =	sst s10  }
0x32: {  	s10 =	sld [smem:$0x3FB8];
	_ =	sdelay $0x3  }
0x33: {  	p0 =	seq.s32 s10, $0x1;
	s10 =	sld [smem:$0x3FBA];
	_ =	sdelay $0x3  }
0x34: {  	[smem:$0x3FBA] =	sst s10  }
0x35: {  	s10 =	sld [smem:$0x3FB9];
	_ =	sdelay $0x3  }
0x36: {  	p1 =	seq.s32 s10, $0x1;
	s10 =	sld [smem:$0x3FBA];
	_ =	sdelay $0x3  }
0x37: {  	[smem:$0x3FBA] =	sst s10  }
0x38: {  	s10 =	sld [smem:$0x3FBB]  }
0x39: {  	_ = 	snop;
	(pc) =	sbr.ind lr, $3  }
0x3a: {  	_ = 	snop  }
0x3b: {  	_ = 	snop  }
0x3c: {  	p2 =	seq.s32 s10, $0x1;
	s10 =	sld [smem:$0x3FBA]  }
0x3d: {  	_ =	shalt  }
0x3e: {  	_ =	shalt  }
0x3f: {  	_ =	shalt  }
0x40: {  	_ =	shalt  }
0x41: {  	_ =	shalt  }
0x42: {  	_ =	shalt  }
0x43: {  	_ =	shalt  }
0x44: {  	_ =	shalt  }
0x45: {  	_ =	shalt  }
0x46: {  	_ =	shalt  }
0x47: {  	_ =	shalt  }
0x48: {  	_ =	shalt  }
0x49: {  	_ =	shalt  }
0x4a: {  	_ =	shalt  }
0x4b: {  	_ =	shalt  }
0x4c: {  	_ =	shalt  }
0x4d: {  	_ =	shalt  }
0x4e: {  	_ =	shalt  }
0x4f: {  	_ =	shalt  }
0x50: {  	_ =	shalt  }
0x51: {  	_ =	shalt  }
0x52: {  	_ =	shalt  }
0x53: {  	_ =	shalt  }
0x54: {  	_ =	shalt  }
0x55: {  	_ =	shalt  }
0x56: {  	_ =	shalt  }
0x57: {  	_ =	shalt  }
0x58: {  	_ =	shalt  }
0x59: {  	_ =	shalt  }
0x5a: {  	_ =	shalt  }
0x5b: {  	_ =	shalt  }
0x5c: {  	_ =	shalt  }
0x5d: {  	_ =	shalt  }
0x5e: {  	_ =	shalt  }
0x5f: {  	_ =	shalt  }
0x60: {  	_ =	shalt  }
0x61: {  	_ =	shalt  }
0x62: {  	_ =	shalt  }
0x63: {  	_ =	shalt  }
0x64: {  	_ =	shalt  }
0x65: {  	_ =	shalt  }
0x66: {  	_ =	shalt  }
0x67: {  	_ =	shalt  }
0x68: {  	_ =	shalt  }
0x69: {  	_ =	shalt  }
0x6a: {  	_ =	shalt  }
0x6b: {  	_ =	shalt  }
0x6c: {  	_ =	shalt  }
0x6d: {  	_ =	shalt  }
0x6e: {  	_ =	shalt  }
0x6f: {  	_ =	shalt  }
0x70: {  	_ =	shalt  }
0x71: {  	_ =	shalt  }
0x72: {  	_ =	shalt  }
0x73: {  	_ =	shalt  }
0x74: {  	_ =	shalt  }
0x75: {  	_ =	shalt  }
0x76: {  	_ =	shalt  }
0x77: {  	_ =	shalt  }
0x78: {  	_ =	shalt  }
0x79: {  	_ =	shalt  }
0x7a: {  	_ =	shalt  }
0x7b: {  	_ =	shalt  }
0x7c: {  	_ =	shalt  }
0x7d: {  	_ =	shalt  }
0x7e: {  	_ =	shalt  }
0x7f: {  	_ =	shalt  }
0x80: {  	_ =	shalt  }
0x81: {  	_ =	shalt  }
0x82: {  	_ =	shalt  }
0x83: {  	_ =	shalt  }
0x84: {  	_ =	shalt  }
0x85: {  	_ =	shalt  }
0x86: {  	_ =	shalt  }
0x87: {  	_ =	shalt  }
.Lfunc_end0:
.L_simem_size_0:
called_computation_lowered:
.L_overlay_start_0:
0x88: {  	s2 =	sld [smem:$0x3FD9]  }
0x89: {  	s3 =	sld [smem:$0x3FFE];
	_ =	sdelay $0x1  }
0x8a: {  	s1 =	srdreg.scid  }
0x8b: {  	s0 =	sand.u32 $0x1, s1  }
0x8c: {  	s18 =	sshll.u32 s0, $0xA;
	s2 =	sadd.s32 s3, s2  }
0x8d: {  	s2 =	sadd.s32 s2, s18  }
0x8e: {  	[smem:$0x3FC6] =	sst s2  }
0x8f: {  	_ = 	snop  }
0x90: {  	s2 =	sld [smem:$0x3FC9]  }
0x91: {  	s19 =	sld [smem:$0x3FC8]  }
0x92: {  	s4 =	sld [smem:$0x3FD0];
	(tm) =	ssettm $0x1  }
0x93: {  	s5 =	sld [smem:$0x3FFB];
	_ =	sdelay $0x3  }
0x94: {  	_ =	strace s5  }
0x95: {  	s5 =	sld [smem:$0x3FFC];
	_ =	sdelay $0x3  }
0x96: {  	_ =	strace s5  }
0x97: {  	s5 =	sld [smem:$0x3FFD];
	_ =	sdelay $0x3  }
0x98: {  	_ =	strace s5  }
0x99: {  	_ =	strace $0x8FFFFFFF  }
0x9a: {  	s20 =	sld [smem:$0x3FDB];
	_ =	sdelay $0x1  }
0x9b: {  	s6 =	simm.s32 $_scs_section_size  }
0x9c: {  	s7 =	simm.s32 $_size__tile_overlayer_lowered;
	s8 =	simm.s32 $_tile_overlayer_lowered  }
0x9d: {  	s23 =	simm.s32 $0x1BFF;
	s22 =	sshll.u32 s8, $0x1;
	s5 =	sadd.s32 s6, s20  }
0x9e: {  	s9 =	simm.s32 $0x0;
	s21 =	sshll.u32 s7, $0x1;
	s7 =	sadd.s32 s22, s5  }
0x9f: {  	[timem:s9], [sflag:s23] =	dma.local [hbm:s7], s21  }
0xa0: {  	_ =	swait.ge [sflag:s23], s21  }
0xa1: {  	s6 =	ssub.s32 $0x0, s21;
	[sflag:s23] =	ssyncset.done $0x0  }
0xa2: {  	[sflag:s23] =	ssyncadd.s32 s6;
	_ =	sdelay $0x1  }
0xa3: {  	s24 =	simm.s32 $0x1B8B  }
0xa4: {  	_ =	swait.ge [sflag:s24], $0x1  }
0xa5: {  	[sflag:s24] =	ssyncset.done $0x0  }
0xa6: {  	s25 =	simm.s32 $0x1B8E;
	[sflag:s24] =	ssyncadd.s32 $0xFFFFFFFF  }
0xa7: {  	s26 =	simm.s32 $execute0_lowered;
	[smem:$0x3FD2] =	sst s25  }
0xa8: {  	s6 =	sshll.u32 s26, $0x1;
	_ =	strace $0x80000046;
	[dreg:$0x1] =	wrdreg $0xFFFFFFFF  }
0xa9: {  	s28 =	simm.s32 $_size_execute0_lowered;
	s5 =	sadd.s32 s5, s6;
	[dreg:$0x0] =	wrdreg $0x0  }
0xaa: {  	s6 =	sshll.u32 s28, $0x1;
	[dreg:$0x2] =	wrdreg s5  }
0xab: {  	[dreg:$0x3] =	wrdreg s6  }
0xac: {  	[dreg:$0x4] =	wrdreg $0xC0  }
0xad: {  	_ =	task [dreg:s9], $0x5FFFF  }
0xae: {  	[dreg:$0x1] =	wrdreg $0xFFFFFFFF  }
0xaf: {  	[dreg:$0x0] =	wrdreg $0x60  }
0xb0: {  	[dreg:$0x2] =	wrdreg s2  }
0xb1: {  	[dreg:$0x3] =	wrdreg s19  }
0xb2: {  	[dreg:$0x4] =	wrdreg s4  }
0xb3: {  	[dreg:$0x5] =	wrdreg $0x9  }
0xb4: {  	_ =	task.clear_ibuf [dreg:s9], $0x6FFFF;
	_ =	strace $0x90000046  }
0xb5: {  	s29 =	simm.s32 $0x9;
	_ =	strace $0x80000048  }
0xb6: {  	_ =	swait.ge [sflag:s29], $0x1  }
0xb7: {  	[sflag:s29] =	ssyncadd.s32 $0xFFFFFFFF  }
0xb8: {  	_ =	strace $0x90000048  }
0xb9: {  	_ =	sfence  }
0xba: {  	s30 =	sld [smem:$0x0];
	_ =	sdelay $0x2  }
0xbb: {  	s31 =	sshll.u32 s1, $0xD;
	s1 =	sshrl.u32 s1, $0x2  }
0xbc: {  	s3 =	sand.u32 $0x4000, s31;
	s1 =	sadd.s32 s1, s30  }
0xbd: {  	s0 =	sor.u32 s3, s0;
	s1 =	sshll.u32 s1, $0x11  }
0xbe: {  	s0 =	sor.u32 s1, s0  }
0xbf: {  	s0 =	sadd.s32 $0x8F2B, s0  }
0xc0: {  	[sflag:s0] =	ssyncadd.remote.s32 $0x1  }
0xc1: {  	_ =	sfence.sel $0xFFFF  }
0xc2: {  	[dreg:$0x0] =	wrdreg $0xFFFFFFFF;
	(pc) =	sbr.abs _section_cstart, $3  }
0xc3: {  	[dreg:$0x1] =	wrdreg $0xFFFFFFFF  }
0xc4: {  	_ =	task.clear_ibuf [dreg:s9], $0x2FFFF;
	_ =	strace $0x9FFFFFFF  }
0xc5: {  	(tm) =	ssettm $0x7FFFFFFF  }
tec
execute0_lowered:
.L_overlay_start_1:
0x0: {  	(tag) =	ssettag $0x1  }
0x1: {  	s0 =	srdreg.scid  }
0x2: {  	s1 =	rddreg [dreg:$0x0];
	s4 =	stileid.u32;
	s0 =	sand.u32 $0x1, s0  }
0x3: {  	s2 =	rddreg [dreg:$0x1];
	s5 =	sshll.u32 s4, $0x8;
	s6 =	sshll.u32 s0, $0x7  }
0x4: {  	s3 =	rddreg [dreg:$0x2];
	s4 =	simm.s32 $0x0;
	s5 =	sor.u32 s6, s5  }
0x5: {  	[smem:$0x7FF] =	sst s4;
	s0 =	ssub.s32 $0x2, s0;
	s7 =	sshll.u32 s5, $0x7  }
0x6: {  	s8 =	sshrl.u32 s0, $0x1;
	s22 =	sadd.s32 s1, s7;
	s7 =	sadd.s32 s2, s7  }
0x7: {  	_ =	strace $0x80000047;
	s0 =	ssub.s32 s0, s8;
	[dreg:$0x5] =	wrdreg s7  }
0x8: {  	s28 =	simm.s32 $0x16;
	s0 =	smax.u32 s0, $0x1;
	[dreg:$0x4] =	wrdreg s22  }
0x9: {  	s29 =	simm.s32 $0xD;
	s23 =	sadd.s32 $0x80000, s22;
	[dreg:$0xb] =	wrdreg s0  }
0xa: {  	s30 =	simm.s32 $0xE;
	s24 =	sadd.s32 $0x100000, s22;
	[dreg:$0x6] =	wrdreg s23  }
0xb: {  	s31 =	simm.s32 $0xF;
	s25 =	sadd.s32 $0x180000, s22;
	[dreg:$0x7] =	wrdreg s24  }
0xc: {  	s13 =	sadd.s32 $0x400, s2;
	s26 =	sadd.s32 $0x400, s22;
	[dreg:$0x8] =	wrdreg s25  }
0xd: {  	s14 =	sshrl.u32 s5, $0x3;
	s6 =	sadd.s32 $0x80400, s22;
	[dreg:$0x9] =	wrdreg s26  }
0xe: {  	s2 =	simm.s32 $0x10;
	s0 =	simm.s32 $0x0;
	[dreg:$0xa] =	wrdreg s6  }
0xf: {  	s24 =	simm.s32 $0x13;
	s25 =	simm.s32 $0x14;
	s26 =	simm.s32 $0x15  }
.LBB2_1:
0x10: {  	s6 =	rddreg [dreg:$0x5]  }
0x11: {  	[tilespmem:s4], [sflag:$0x1] =	stream.linear.gather [hbm4b:s6+s4], $0x2000, $0x38;
	[tilespmem:$0x18000] =	vst v63  }
0x12: {  	s11 =	rddreg [dreg:$0x4];
	s7 =	simm.s32 $0x4000  }
0x13: {  	[tilespmem:s7], [sflag:$0x3] =	stream.linear.gather [hbm4b:s11+s4], $0x2000, $0x38;
	[tilespmem:$0x18000] =	vst v63  }
0x14: {  	s12 =	rddreg [dreg:$0x6];
	s15 =	simm.s32 $0x6000  }
0x15: {  	[tilespmem:s15], [sflag:$0x4] =	stream.linear.gather [hbm4b:s12+s4], $0x2000, $0x38;
	[tilespmem:$0x18000] =	vst v63  }
0x16: {  	s16 =	rddreg [dreg:$0x7];
	s17 =	simm.s32 $0x8000  }
0x17: {  	[tilespmem:s17], [sflag:$0x5] =	stream.linear.gather [hbm4b:s16+s4], $0x2000, $0x38;
	[tilespmem:$0x18000] =	vst v63  }
0x18: {  	s18 =	rddreg [dreg:$0x8];
	s19 =	simm.s32 $0xA000  }
0x19: {  	[tilespmem:s19], [sflag:$0x6] =	stream.linear.gather [hbm4b:s18+s4], $0x2000, $0x38;
	[tilespmem:$0x18000] =	vst v63  }
0x1a: {  	s20 =	rddreg [dreg:$0x9];
	s21 =	simm.s32 $0xC000  }
0x1b: {  	[tilespmem:s21], [sflag:$0x7] =	stream.linear.gather [hbm4b:s20+s4], $0x2000, $0x38;
	[tilespmem:$0x18000] =	vst v63  }
0x1c: {  	s22 =	rddreg [dreg:$0xa];
	s23 =	simm.s32 $0xE000;
	s16 =	simm.s32 $0x0  }
0x1d: {  	[tilespmem:s23], [sflag:$0x8] =	stream.linear.gather [hbm4b:s22+s4], $0x2000, $0x38;
	[tilespmem:$0x18000] =	vst v63  }
.LBB2_2:
0x1e: {  	s17 =	sand.u32 $0x3, s16;
	p1 =	sgt.u32 s16, $0x3B;
	p0 =	sgt.u32 s16, $0x39  }
0x1f: {  	s7 =	sshrl.u32 s16, $0x2;
	p2 =	sne.s32 @!p1 s17, $0x0;
	s8 =	sadd.s32 @!p0 $0x6, s16  }
0x20: {  	s9 =	sshll.u32 s7, $0x3;
	p1 =	por p2, p1;
	s10 =	smul.u32 @!p0 $0xCD, s8  }
0x21: {  	s18 =	sadd.s32 s5, s9;
	s9 =	sxor.u32 @!p1 $0xFFFFFFFF, s7  }
0x22: {  	s11 =	sshll.u32 @!p1 s18, $0x7;
	s19 =	simm.s32 @!p1 $0x0;
	s10 =	sshrl.u32 @!p0 s10, $0xB  }
0x23: {  	s9 =	sand.u32 @!p1 $0x1, s9;
	s11 =	sadd.s32 @!p1 s11, s13;
	s10 =	sand.u32 @!p0 $0x1F, s10  }
0x24: {  	s12 =	sshll.u32 @!p1 s9, $0xD;
	s9 =	sadd.s32 @!p1 $0x1, s9;
	s10 =	smul.u32 @!p0 $0xA, s10  }
0x25: {  	[tilespmem:s12], [sflag:s9] =	stream.linear.gather @!p1 [hbm4b:s11+s19], $0x2000, $0x38;
	[tilespmem:$0x18000] =	vst v63  }
0x26: {  	p1 =	slt.u32 @!p0 s16, $0x4;
	s9 =	ssub.s32 @!p0 s8, s10  }
0x27: {  	p1 =	por p1, p0;
	s9 =	sand.u32 @!p0 $0xFF, s9  }
0x28: {  	s10 =	sadd.s32 @!p1 $0xD, s9  }
0x29: {  	s12 =	sshrl.u32 @!p0 s8, $0x2;
	s8 =	sshll.u32 @!p0 s8, $0x13;
	_ =	swait.ge @!p1 [sflag:s10], $0x2000  }
0x2a: {  	s6 =	smul.u32 $0xCD, s16;
	s8 =	sand.u32 @!p0 $0x180000, s8;
	[sflag:s10] =	ssyncset.done @!p1 $0x0  }
0x2b: {  	s8 =	sadd.s32 @!p0 s1, s8;
	[sflag:s10] =	ssyncadd.s32 @!p1 $0xFFFFE000;
	s10 =	sadd.s32 @!p0 s14, s12  }
0x2c: {  	s12 =	sshll.u32 @!p0 s9, $0xD;
	s9 =	sadd.s32 @!p0 $0x3, s9;
	s10 =	sshll.u32 @!p0 s10, $0xA  }
0x2d: {  	s12 =	sadd.s32 @!p0 $0x4000, s12;
	s8 =	sadd.s32 @!p0 s10, s8;
	s10 =	simm.s32 @!p0 $0x0  }
0x2e: {  	[tilespmem:s12], [sflag:s9] =	stream.linear.gather @!p0 [hbm4b:s8+s10], $0x2000, $0x38;
	[tilespmem:$0x18000] =	vst v63  }
0x2f: {  	s9 =	sshrl.u32 s6, $0xB  }
0x30: {  	p0 =	sne.s32 s17, $0x0;
	s8 =	sand.u32 $0x1F, s9  }
0x31: {  	s21 =	simm.s32 $0x0;
	s9 =	sand.u32 @!p0 $0x1, s7;
	s8 =	smul.u32 $0xA, s8  }
0x32: {  	s11 =	sand.u32 $0x1800, s21;
	s9 =	sadd.s32 @!p0 $0x1, s9  }
0x33: {  	s23 =	sor.u32 $0x400, s11;
	_ =	swait.ge @!p0 [sflag:s9], $0x2000;
	s8 =	ssub.s32 s16, s8  }
0x34: {  	s6 =	sand.u32 $0x380, s21;
	[sflag:s9] =	ssyncset.done @!p0 $0x0;
	s19 =	sand.u32 $0xFF, s8  }
0x35: {  	[sflag:s9] =	ssyncadd.s32 @!p0 $0xFFFFE000;
	s8 =	sadd.s32 $0x3, s19;
	s10 =	sshll.u32 s19, $0xD  }
0x36: {  	s7 =	sshll.u32 s7, $0xD;
	s20 =	sadd.s32 $0x4000, s10;
	_ =	swait.ge [sflag:s8], $0x2000  }
0x37: {  	s7 =	sand.u32 $0x2000, s7;
	[sflag:s8] =	ssyncset.done $0x0;
	s15 =	sadd.s32 s23, s20  }
0x38: {  	s22 =	sadd.s32 s23, s7;
	[sflag:s8] =	ssyncadd.s32 $0xFFFFE000;
	s12 =	sadd.s32 s6, s15  }
0x39: {  	s10 =	sadd.s32 s6, s22;
	v0 =	vld [tilespmem:s12+$0x70]  }
0x3a: {  	v1 =	vld [tilespmem:s10+$0x70]  }
0x3b: {  	v2 =	vld [tilespmem:s12+$0x0]  }
0x3c: {  	v3 =	vld [tilespmem:s10+$0x0]  }
0x3d: {  	v4 =	vld [tilespmem:s12+$0x10]  }
0x3e: {  	v5 =	vld [tilespmem:s10+$0x10]  }
0x3f: {  	v6 =	vld [tilespmem:s12+$0x20]  }
0x40: {  	v7 =	vld [tilespmem:s10+$0x20]  }
0x41: {  	v8 =	vld [tilespmem:s12+$0x30]  }
0x42: {  	v9 =	vld [tilespmem:s10+$0x30]  }
0x43: {  	v10 =	vld [tilespmem:s12+$0x40]  }
0x44: {  	v11 =	vld [tilespmem:s10+$0x40]  }
0x45: {  	v12 =	vld [tilespmem:s12+$0x50]  }
0x46: {  	v13 =	vld [tilespmem:s10+$0x50]  }
0x47: {  	s23 =	sadd.s32 s11, s20;
	v14 =	vld [tilespmem:s12+$0x60]  }
0x48: {  	s9 =	sadd.s32 s11, s7;
	s8 =	sadd.s32 s6, s23;
	v15 =	vld [tilespmem:s10+$0x60]  }
0x49: {  	s9 =	sadd.s32 s6, s9;
	v0 =	vadd.f32 v1, v0;
	v1 =	vld [tilespmem:s8+$0x0]  }
0x4a: {  	v2 =	vadd.f32 v3, v2;
	v3 =	vld [tilespmem:s9+$0x0]  }
0x4b: {  	[tilespmem:s12+$0x70] =	vst v0;
	v0 =	vadd.f32 v5, v4;
	v4 =	vld [tilespmem:s8+$0x10]  }
0x4c: {  	[tilespmem:s12+$0x0] =	vst v2;
	v2 =	vadd.f32 v7, v6;
	v6 =	vld [tilespmem:s9+$0x10]  }
0x4d: {  	v7 =	vld [tilespmem:s8+$0x20];
	[tilespmem:s12+$0x10] =	vst v0;
	v0 =	vadd.f32 v9, v8  }
0x4e: {  	v5 =	vadd.f32 v11, v10;
	[tilespmem:s12+$0x20] =	vst v2;
	v8 =	vld [tilespmem:s9+$0x20]  }
0x4f: {  	v2 =	vld [tilespmem:s8+$0x30];
	[tilespmem:s12+$0x30] =	vst v0;
	v0 =	vadd.f32 v13, v12  }
0x50: {  	v63 =	vadd.f32 v15, v14;
	[tilespmem:s12+$0x40] =	vst v5;
	v5 =	vld [tilespmem:s9+$0x30]  }
0x51: {  	[tilespmem:s12+$0x50] =	vst v0;
	v0 =	vadd.f32 v3, v1;
	v1 =	vld [tilespmem:s8+$0x40]  }
0x52: {  	[tilespmem:s12+$0x60] =	vst v63;
	v3 =	vadd.f32 v6, v4;
	v4 =	vld [tilespmem:s9+$0x40]  }
0x53: {  	v6 =	vadd.f32 v8, v7;
	[tilespmem:s8+$0x0] =	vst v0;
	v0 =	vld [tilespmem:s8+$0x50]  }
0x54: {  	s11 =	simm.s32 $0x800;
	s10 =	simm.s32 $0x0;
	[tilespmem:s8+$0x10] =	vst v3;
	v3 =	vld [tilespmem:s9+$0x50]  }
.LBB2_3:
0x55: {  	s15 =	sand.u32 $0x1800, s11;
	[tilespmem:s8+$0x20] =	vst v6;
	v2 =	vadd.f32 v5, v2;
	v5 =	vld [tilespmem:s8+$0x60]  }
0x56: {  	s10 =	sadd.s32 $0x100, s10;
	s21 =	sadd.s32 $0x20, s21;
	s6 =	sor.u32 $0x400, s15;
	v6 =	vld [tilespmem:s9+$0x60]  }
0x57: {  	s22 =	sand.u32 $0x380, s21;
	p0 =	slt.u32 s10, $0x1F00;
	s12 =	sadd.s32 s6, s20;
	[tilespmem:s8+$0x30] =	vst v2;
	v1 =	vadd.f32 v4, v1;
	v2 =	vld [tilespmem:s8+$0x70]  }
0x58: {  	s23 =	sadd.s32 s15, s20;
	s6 =	sadd.s32 s6, s7;
	s12 =	sadd.s32 s22, s12;
	v4 =	vld [tilespmem:s9+$0x70]  }
0x59: {  	s23 =	sadd.s32 s22, s23;
	s9 =	sadd.s32 s15, s7;
	s6 =	sadd.s32 s22, s6;
	v7 =	vld [tilespmem:s12+$0x70];
	[tilespmem:s8+$0x40] =	vst v1;
	v0 =	vadd.f32 v3, v0  }
0x5a: {  	s9 =	sadd.s32 s22, s9;
	v1 =	vld [tilespmem:s6+$0x70]  }
0x5b: {  	v3 =	vld [tilespmem:s12+$0x0];
	[tilespmem:s8+$0x50] =	vst v0;
	v0 =	vadd.f32 v6, v5  }
0x5c: {  	v5 =	vld [tilespmem:s6+$0x0]  }
0x5d: {  	v6 =	vld [tilespmem:s12+$0x10];
	[tilespmem:s8+$0x60] =	vst v0;
	v0 =	vadd.f32 v4, v2  }
0x5e: {  	v2 =	vld [tilespmem:s6+$0x10]  }
0x5f: {  	v4 =	vld [tilespmem:s12+$0x20];
	v1 =	vadd.f32 v1, v7;
	[tilespmem:s8+$0x70] =	vst v0;
	s8 =	smov.u32 s23  }
0x60: {  	v0 =	vld [tilespmem:s6+$0x20]  }
0x61: {  	v3 =	vadd.f32 v5, v3;
	v5 =	vld [tilespmem:s12+$0x30];
	[tilespmem:s12+$0x70] =	vst v1  }
0x62: {  	v1 =	vld [tilespmem:s6+$0x30]  }
0x63: {  	[tilespmem:s12+$0x0] =	vst v3;
	v2 =	vadd.f32 v2, v6;
	v3 =	vld [tilespmem:s12+$0x40]  }
0x64: {  	v6 =	vld [tilespmem:s6+$0x40]  }
0x65: {  	[tilespmem:s12+$0x10] =	vst v2;
	v0 =	vadd.f32 v0, v4;
	v2 =	vld [tilespmem:s12+$0x50]  }
0x66: {  	v4 =	vld [tilespmem:s6+$0x50]  }
0x67: {  	[tilespmem:s12+$0x20] =	vst v0;
	v0 =	vadd.f32 v1, v5;
	v1 =	vld [tilespmem:s12+$0x60]  }
0x68: {  	v5 =	vld [tilespmem:s6+$0x60]  }
0x69: {  	v7 =	vld [tilespmem:s8+$0x0];
	[tilespmem:s12+$0x30] =	vst v0;
	v0 =	vadd.f32 v6, v3  }
0x6a: {  	v3 =	vld [tilespmem:s9+$0x0]  }
0x6b: {  	v6 =	vld [tilespmem:s8+$0x10];
	[tilespmem:s12+$0x40] =	vst v0;
	v0 =	vadd.f32 v4, v2  }
0x6c: {  	v4 =	vld [tilespmem:s9+$0x10]  }
0x6d: {  	v8 =	vld [tilespmem:s8+$0x20];
	[tilespmem:s12+$0x50] =	vst v0;
	v0 =	vadd.f32 v5, v1  }
0x6e: {  	v9 =	vld [tilespmem:s9+$0x20]  }
0x6f: {  	v1 =	vadd.f32 v3, v7;
	v2 =	vld [tilespmem:s8+$0x30];
	[tilespmem:s12+$0x60] =	vst v0  }
.Ltmp0:
0x70: {  	v5 =	vld [tilespmem:s9+$0x30];
	(pc) =	sbr.rel @p0 .LBB2_3-.Ltmp0, $4  }
0x71: {  	[tilespmem:s8+$0x0] =	vst v1;
	v0 =	vadd.f32 v4, v6;
	v1 =	vld [tilespmem:s8+$0x40]  }
0x72: {  	v4 =	vld [tilespmem:s9+$0x40]  }
0x73: {  	[tilespmem:s8+$0x10] =	vst v0;
	v6 =	vadd.f32 v9, v8;
	v0 =	vld [tilespmem:s8+$0x50]  }
0x74: {  	s11 =	sadd.s32 $0x800, s11;
	v3 =	vld [tilespmem:s9+$0x50]  }
0x75: {  	v7 =	vld [tilespmem:s8+$0x60]  }
0x76: {  	v8 =	vld [tilespmem:s9+$0x60]  }
0x77: {  	v9 =	vld [tilespmem:s8+$0x70]  }
0x78: {  	v10 =	vld [tilespmem:s9+$0x70]  }
0x79: {  	v2 =	vadd.f32 v5, v2  }
0x7a: {  	[tilespmem:s8+$0x20] =	vst v6;
	s16 =	sadd.s32 $0x1, s16;
	v1 =	vadd.f32 v4, v1  }
0x7b: {  	p0 =	sne.s32 s16, $0x40;
	[tilespmem:s8+$0x30] =	vst v2;
	v0 =	vadd.f32 v3, v0  }
.Ltmp1:
0x7c: {  	[tilespmem:s8+$0x40] =	vst v1;
	v62 =	vadd.f32 v8, v7;
	(pc) =	sbr.rel @p0 .LBB2_2-.Ltmp1, $4  }
0x7d: {  	s6 =	sshll.u32 s17, $0x13;
	v63 =	vadd.f32 v10, v9;
	[tilespmem:s8+$0x50] =	vst v0  }
0x7e: {  	s7 =	sshll.u32 s18, $0x7;
	s6 =	sadd.s32 s3, s6;
	[tilespmem:s8+$0x60] =	vst v62  }
0x7f: {  	s23 =	sadd.s32 $0xD, s19;
	s6 =	sadd.s32 s7, s6;
	[tilespmem:s8+$0x70] =	vst v63  }
0x80: {  	[hbm4b:s6+s4] =	stream.linear.scatter [tilespmem:s20], [sflag:s23], $0x2000, $0x38;
	[tilespmem:$0x18000] =	vst v63  }
0x81: {  	s6 =	simm.s32 $0x11  }
0x82: {  	_ =	swait.ge [sflag:s6], $0x2000  }
0x83: {  	[sflag:s6] =	ssyncset.done $0x0  }
0x84: {  	s22 =	simm.s32 $0x12;
	[sflag:s6] =	ssyncadd.s32 $0xFFFFE000  }
0x85: {  	_ =	swait.ge [sflag:s22], $0x2000  }
0x86: {  	[sflag:s22] =	ssyncset.done $0x0  }
0x87: {  	[sflag:s22] =	ssyncadd.s32 $0xFFFFE000  }
0x88: {  	_ =	swait.ge [sflag:s24], $0x2000  }
0x89: {  	[sflag:s24] =	ssyncset.done $0x0  }
0x8a: {  	[sflag:s24] =	ssyncadd.s32 $0xFFFFE000  }
0x8b: {  	_ =	swait.ge [sflag:s25], $0x2000  }
0x8c: {  	[sflag:s25] =	ssyncset.done $0x0  }
0x8d: {  	[sflag:s25] =	ssyncadd.s32 $0xFFFFE000  }
0x8e: {  	_ =	swait.ge [sflag:s26], $0x2000  }
0x8f: {  	[sflag:s26] =	ssyncset.done $0x0  }
0x90: {  	[sflag:s26] =	ssyncadd.s32 $0xFFFFE000  }
0x91: {  	_ =	swait.ge [sflag:s28], $0x2000  }
0x92: {  	[sflag:s28] =	ssyncset.done $0x0  }
0x93: {  	[sflag:s28] =	ssyncadd.s32 $0xFFFFE000  }
0x94: {  	_ =	swait.ge [sflag:s29], $0x2000  }
0x95: {  	[sflag:s29] =	ssyncset.done $0x0  }
0x96: {  	[sflag:s29] =	ssyncadd.s32 $0xFFFFE000  }
0x97: {  	_ =	swait.ge [sflag:s30], $0x2000  }
0x98: {  	[sflag:s30] =	ssyncset.done $0x0  }
0x99: {  	[sflag:s30] =	ssyncadd.s32 $0xFFFFE000  }
0x9a: {  	_ =	swait.ge [sflag:s31], $0x2000  }
0x9b: {  	[sflag:s31] =	ssyncset.done $0x0  }
0x9c: {  	[sflag:s31] =	ssyncadd.s32 $0xFFFFE000  }
0x9d: {  	_ =	swait.ge [sflag:s2], $0x2000  }
0x9e: {  	s0 =	sadd.s32 $0x1, s0;
	s23 =	rddreg [dreg:$0xb]  }
0x9f: {  	p0 =	sne.s32 s0, s23  }
.Ltmp2:
0xa0: {  	_ = 	snop;
	(pc) =	sbr.rel @p0 .LBB2_1-.Ltmp2, $3  }
0xa1: {  	_ =	sdelay $0x1  }
0xa2: {  	[sflag:s2] =	ssyncset.done $0x0  }
0xa3: {  	[sflag:s2] =	ssyncadd.s32 $0xFFFFE000  }
0xa4: {  	_ =	sfence.sel $0x180000  }
0xa5: {  	[bflag:$0x0] =	sbarrier.arrive $0xFFFF  }
0xa6: {  	_ =	strace $0x90000047  }
0xa7: {  	s0 =	stileid.u32;
	[bflag:$0x2] =	sbarrier.arrive $0xFFFF  }
0xa8: {  	p0 =	sne.s32 s0, $0x0;
	s0 =	rddreg [dreg:$0x3]  }
0xa9: {  	s0 =	sadd.s32 @!p0 $0x100000, s0  }
0xaa: {  	[sflag:s0] =	ssyncadd.tile.s32 @!p0 $0x1;
	_ =	shalt  }
.Lfunc_end2:
_tile_overlayer_lowered:
.L_overlay_start_2:
0xab: {  	(tag) =	ssettag $0x2  }
0xac: {  	s0 =	rddreg [dreg:$0x0];
	s2 =	stileid.u32  }
0xad: {  	s1 =	rddreg [dreg:$0x1];
	p0 =	sne.s32 s2, $0x0  }
0xae: {  	s3 =	rddreg [dreg:$0x2];
	[bflag:$0x3] =	sbarrier.arrive $0xFFFF;
	s2 =	simm.s32 @!p0 $0x1C17  }
0xaf: {  	[timem:s3], [sflag:s2] =	dma.local @!p0 [hbm:s0], s1  }
0xb0: {  	s0 =	simm.s32 @!p0 $0x17  }
0xb1: {  	_ =	swait.ge @!p0 [sflag:s0], s1  }
0xb2: {  	s1 =	ssub.s32 @!p0 $0x0, s1;
	[sflag:s0] =	ssyncset.done @!p0 $0x0  }
0xb3: {  	[sflag:s0] =	ssyncadd.s32 @!p0 s1  }
0xb4: {  	[bflag:$0x3] =	sbarrier.arrive $0xFFFF  }
0xb5: {  	_ =	shalt  }

</sc_bundles>
